<compile_context>
chip_gen: v7x
topology: tpu7x:2x2x1
jax: 0.10.2.dev20260603
libtpu: 0.0.44.dev20260713+nightly
codegen_flags: <defaults>
</compile_context>

<pallas_src>
import functools

import jax
import jax.numpy as jnp
from jax import lax
from jax.experimental import pallas as pl
from jax.experimental.pallas import tpu as pltpu
from jax.experimental.pallas import tpu_sc as plsc

_UPPER = 0.4
_LOWER = 0.1
_NCLS = 80
_BACKGROUND = _NCLS
_TL = 1000

_NC = 2
_NS = 16
_NW = _NC * _NS
_CHUNK = 128


def _argmax_kernel(cls_ref, idx_ref, logz_ref):
    n = pl.program_id(0)
    t = pl.program_id(1)
    cls = cls_ref[0]
    tl, C = cls.shape
    L = pl.num_programs(1) * tl
    lane_c = lax.broadcasted_iota(jnp.int32, (tl, C), 1)
    rowmax = jnp.max(cls, axis=1, keepdims=True)
    idx = jnp.min(jnp.where(cls == rowmax, lane_c, C), axis=1, keepdims=True)
    logz = rowmax + jnp.log(jnp.sum(jnp.exp(cls - rowmax), axis=1, keepdims=True))
    row = lax.broadcasted_iota(jnp.int32, (tl, 1), 0)
    idx_ref[0] = (n * L + t * tl + row) * C + idx
    logz_ref[0] = logz


def _make_sc_gather(b_pad, b_per_w, width):
    nchunk = b_per_w // _CHUNK
    mesh = plsc.VectorSubcoreMesh(core_axis_name="c", subcore_axis_name="s")

    @functools.partial(
        pl.kernel, mesh=mesh,
        compiler_params=pltpu.CompilerParams(use_tc_tiling_on_sc=False),
        out_type=jax.ShapeDtypeStruct((b_pad // _CHUNK, _CHUNK, width),
                                      jnp.float32),
        scratch_types=[
            pltpu.VMEM((nchunk, _CHUNK), jnp.int32),
            pltpu.VMEM((nchunk, _CHUNK, width), jnp.float32),
            pltpu.SemaphoreType.DMA,
        ],
    )
    def gather_k(table_hbm, idx_hbm, out_hbm, idx_v, rows_v, sem):
        wid = lax.axis_index("s") * _NC + lax.axis_index("c")
        pltpu.sync_copy(idx_hbm.at[pl.ds(wid * nchunk, nchunk)], idx_v)
        handles = [
            pltpu.async_copy(table_hbm.at[idx_v.at[j]], rows_v.at[j], sem)
            for j in range(nchunk)
        ]
        for h in handles:
            h.wait()
        pltpu.sync_copy(rows_v, out_hbm.at[pl.ds(wid * nchunk, nchunk)])

    return gather_k


def _loss_kernel(cls_ref, sel16_ref, base_ref, logz_ref, rois_ref, gtt_ref,
                 gtc_ref, acc_ref):
    t = pl.program_id(1)
    cls = cls_ref[0]
    sel16 = sel16_ref[0]
    base = base_ref[0]
    logz = logz_ref[0]
    rois = rois_ref[0]
    gtt = gtt_ref[0]
    gtc = gtc_ref[0]

    tl, C = cls.shape
    M = gtc.shape[1]

    off = jnp.bitwise_and(base, 3) * 4
    lane16 = lax.broadcasted_iota(jnp.int32, (tl, 16), 1)
    pred = []
    for k in range(4):
        sk = jnp.sum(jnp.where(lane16 == off + k, sel16, 0.0),
                     axis=1, keepdims=True)
        pred.append(rois[:, k:k + 1] + sk)
    px1, py1, px2, py2 = pred

    gx1, gy1, gx2, gy2 = (gtt[k:k + 1, :] for k in range(4))
    area_a = (px2 - px1) * (py2 - py1)
    area_b = (gx2 - gx1) * (gy2 - gy1)
    iw = jnp.maximum(jnp.minimum(px2, gx2) - jnp.maximum(px1, gx1), 0.0)
    ih = jnp.maximum(jnp.minimum(py2, gy2) - jnp.maximum(py1, gy1), 0.0)
    inter = iw * ih
    iou = inter / (area_a + area_b - inter + 1e-9)
    max_iou = jnp.max(iou, axis=1, keepdims=True)
    lane_m = lax.broadcasted_iota(jnp.int32, (tl, M), 1)
    arg = jnp.min(jnp.where(iou == max_iou, lane_m, M), axis=1, keepdims=True)

    pos = max_iou >= _UPPER
    neg = max_iou < _LOWER
    onehot = lane_m == arg
    pos_label = jnp.sum(jnp.where(onehot, gtc, 0.0), axis=1, keepdims=True)
    label = jnp.where(pos, pos_label, float(_BACKGROUND))

    lane_c = lax.broadcasted_iota(jnp.int32, (tl, C), 1)
    logit_at = jnp.sum(
        jnp.where(lane_c.astype(jnp.float32) == label, cls, 0.0),
        axis=1, keepdims=True)
    ce = logz - logit_at
    w = (pos | neg).astype(jnp.float32)

    bl = jnp.zeros((tl, 1), jnp.float32)
    for k in range(4):
        gk = jnp.sum(jnp.where(onehot, gtt[k:k + 1, :], 0.0), axis=1, keepdims=True)
        d = pred[k] - gk
        ad = jnp.abs(d)
        bl = bl + jnp.where(ad < 1.0, 0.5 * d * d, ad - 0.5)
    pw = pos.astype(jnp.float32)

    sums = (jnp.sum(ce * w), jnp.sum(w), jnp.sum(pw),
            jnp.sum(neg.astype(jnp.float32)), jnp.sum(bl * pw))
    lane_o = lax.broadcasted_iota(jnp.int32, (1, 128), 1)
    vec = jnp.zeros((1, 128), jnp.float32)
    for j, sv in enumerate(sums):
        vec = vec + jnp.where(lane_o == j, sv, 0.0)

    @pl.when(t == 0)
    def _init():
        acc_ref[0] = vec

    @pl.when(t != 0)
    def _acc():
        acc_ref[0] = acc_ref[0] + vec


def kernel(rois, cls_scores, bbox_deltas, gt_boxes, gt_clses, device):
    N, L, C = cls_scores.shape
    M = gt_boxes.shape[2]
    T = L // _TL

    base_idx, logz = pl.pallas_call(
        _argmax_kernel,
        grid=(N, T),
        in_specs=[pl.BlockSpec((1, _TL, C), lambda n, t: (n, t, 0))],
        out_specs=[pl.BlockSpec((1, _TL, 1), lambda n, t: (n, t, 0)),
                   pl.BlockSpec((1, _TL, 1), lambda n, t: (n, t, 0))],
        out_shape=[jax.ShapeDtypeStruct((N, L, 1), jnp.int32),
                   jax.ShapeDtypeStruct((N, L, 1), jnp.float32)],
    )(cls_scores)

    B = N * L
    b_per_w = -(-B // (_NW * _CHUNK)) * _CHUNK
    b_pad = b_per_w * _NW
    idx_flat = jax.lax.shift_right_logical(base_idx.reshape(B), 2)
    idx_pad = jnp.pad(idx_flat, (0, b_pad - B)).reshape(b_pad // _CHUNK, _CHUNK)
    table = bbox_deltas.reshape(N * L * C // 4, 16)
    sel16 = _make_sc_gather(b_pad, b_per_w, 16)(table, idx_pad)
    sel16 = sel16.reshape(b_pad, 16)[:B].reshape(N, L, 16)

    gtt = jnp.swapaxes(gt_boxes[:, 0], 1, 2)
    gtc = gt_clses.astype(jnp.float32).reshape(N, 1, M)
    acc = pl.pallas_call(
        _loss_kernel,
        grid=(N, T),
        in_specs=[
            pl.BlockSpec((1, _TL, C), lambda n, t: (n, t, 0)),
            pl.BlockSpec((1, _TL, 16), lambda n, t: (n, t, 0)),
            pl.BlockSpec((1, _TL, 1), lambda n, t: (n, t, 0)),
            pl.BlockSpec((1, _TL, 1), lambda n, t: (n, t, 0)),
            pl.BlockSpec((1, _TL, 4), lambda n, t: (n, t, 0)),
            pl.BlockSpec((1, 4, M), lambda n, t: (n, 0, 0)),
            pl.BlockSpec((1, 1, M), lambda n, t: (n, 0, 0)),
        ],
        out_specs=pl.BlockSpec((1, 1, 128), lambda n, t: (n, 0, 0)),
        out_shape=jax.ShapeDtypeStruct((N, 1, 128), jnp.float32),
    )(cls_scores, sel16, base_idx, logz, rois, gtt, gtc)
    acc = acc[:, 0, :]
    s_ce_w, s_w, s_pos, s_neg, s_bl = (acc[:, j] for j in range(5))
    cls_loss = jnp.sum(s_ce_w / jnp.maximum(s_w, 1.0))
    bbox_loss = jnp.sum(jnp.where(s_pos > 0, s_bl / N, 0.0))
    return (cls_loss, bbox_loss, jnp.sum(s_pos), jnp.sum(s_neg))

# --- scband reference (transcript-rebuilt; emitter-appended) ---
"""Pipeline reference for scband-head-target-layer-20091857011314 (READ-ONLY COPY).

The authoritative reference and input builder live on the scoring server;
editing this copy changes nothing except your own understanding.
"""

import jax, jax.numpy as jnp
import numpy as np

NEGATIVE = -2
UPPER = 0.4
LOWER = 0.1
NCLS = 80
BACKGROUND = NCLS


def setup_inputs(seed: int = 0):
    key = jax.random.key(seed)
    ks = jax.random.split(key, 7)
    N, L, C, M = 4, 5000, NCLS + 1, 100
    img = 1920.0
    xy1 = jax.random.uniform(ks[0], (N, L, 2), dtype=jnp.float32) * img * 0.8
    wh = jax.random.uniform(ks[1], (N, L, 2), dtype=jnp.float32) * img * 0.2 + 1.0
    rois = jnp.concatenate([xy1, xy1 + wh], axis=-1)
    cls_scores = jax.random.normal(ks[2], (N, L, C), dtype=jnp.float32)
    bbox_deltas = jax.random.normal(ks[3], (N, L, 4 * C), dtype=jnp.float32) * 8.0
    gxy1 = jax.random.uniform(ks[4], (N, 1, M, 2), dtype=jnp.float32) * img * 0.8
    gwh = jax.random.uniform(ks[5], (N, 1, M, 2), dtype=jnp.float32) * img * 0.2 + 1.0
    gt_boxes = jnp.concatenate([gxy1, gxy1 + gwh], axis=-1)
    gt_clses = jax.random.randint(ks[6], (N, M), 0, NCLS)
    return {"rois": rois, "cls_scores": cls_scores, "bbox_deltas": bbox_deltas,
            "gt_boxes": gt_boxes, "gt_clses": gt_clses, "device": 0}


def _box_iou(a, b):
    # a: [L,4], b: [M,4] in x1,y1,x2,y2
    area_a = (a[:, 2] - a[:, 0]) * (a[:, 3] - a[:, 1])
    area_b = (b[:, 2] - b[:, 0]) * (b[:, 3] - b[:, 1])
    lt = jnp.maximum(a[:, None, :2], b[None, :, :2])
    rb = jnp.minimum(a[:, None, 2:], b[None, :, 2:])
    wh = jnp.clip(rb - lt, 0.0)
    inter = wh[..., 0] * wh[..., 1]
    return inter / (area_a[:, None] + area_b[None, :] - inter + 1e-9)


def _match(pred, gt_box, upper, lower):
    ious = _box_iou(pred, gt_box)
    max_iou = jnp.max(ious, axis=1)
    arg = jnp.argmax(ious, axis=1).astype(jnp.int32)
    return jnp.where(max_iou >= upper, arg,
                     jnp.where(max_iou < lower, NEGATIVE, -1))


def _smooth_l1(x):
    ax = jnp.abs(x)
    return jnp.where(ax < 1.0, 0.5 * x * x, ax - 0.5)


def reference(rois, cls_scores, bbox_deltas, gt_boxes, gt_clses, device):
    N, L, C = cls_scores.shape
    score_idxs = jnp.argmax(cls_scores, axis=2)  # [N,L]
    bd = bbox_deltas.reshape(N, L, C, 4)
    idx = jnp.broadcast_to(score_idxs[:, :, None, None], (N, L, 1, 4))
    sel = jnp.take_along_axis(bd, idx, axis=2)[:, :, 0, :]  # [N,L,4]
    pred = rois + sel

    cls_loss = jnp.float32(0.0)
    bbox_loss = jnp.float32(0.0)
    fg_num = jnp.float32(0.0)
    bg_num = jnp.float32(0.0)
    for i in range(N):
        gt_box = gt_boxes[i, 0]  # [M,4]
        matches = _match(pred[i], gt_box, UPPER, LOWER)
        pos = matches >= 0
        neg = matches == NEGATIVE
        fg_num = fg_num + jnp.sum(pos.astype(jnp.float32))
        bg_num = bg_num + jnp.sum(neg.astype(jnp.float32))
        safe = jnp.clip(matches, 0, gt_box.shape[0] - 1)
        pos_labels = gt_clses[i][safe]
        labels = jnp.where(pos, pos_labels, BACKGROUND).astype(jnp.int32)
        logits = cls_scores[i]  # [L,C]
        logz = jax.scipy.special.logsumexp(logits, axis=1)
        ce = logz - jnp.take_along_axis(logits, labels[:, None], axis=1)[:, 0]
        w = (pos | neg).astype(jnp.float32)
        denom = jnp.maximum(jnp.sum(w), 1.0)
        cls_loss = cls_loss + jnp.sum(ce * w) / denom
        gt_bbox = gt_box[safe]  # [L,4]
        bl = jnp.sum(_smooth_l1(pred[i] - gt_bbox), axis=1)
        pw = pos.astype(jnp.float32)
        batch_bl = jnp.sum(bl * pw) / N
        bbox_loss = bbox_loss + jnp.where(jnp.sum(pw) > 0, batch_bl, 0.0)
    return (cls_loss, bbox_loss, fg_num, bg_num)

if __name__ == "__main__":
    import jax
    _d = setup_inputs()
    print(jax.jit(kernel)(*tuple(_d.values())))

</pallas_src>

<mosaic_0001>
#map = affine_map<(d0, d1) -> (0, 0)>
#map1 = affine_map<(d0, d1) -> (0, 0, 0)>
module attributes {stable_mosaic.version = 14 : i64} {
  func.func @gather_k(%arg0: i32, %arg1: i32, %arg2: memref<405000x16xf32, #tpu.memory_space<hbm>>, %arg3: memref<160x128xi32, #tpu.memory_space<hbm>>, %arg4: memref<160x128x16xf32, #tpu.memory_space<hbm>>, %arg5: memref<5x128xi32, #tpu.memory_space<vmem>>, %arg6: memref<5x128x16xf32, #tpu.memory_space<vmem>>, %arg7: memref<!tpu.dma_semaphore, #tpu.memory_space<semaphore_mem>>) attributes {dimension_semantics = [#tpu.dimension_semantics<core_parallel>, #tpu.dimension_semantics<subcore_parallel>], iteration_bounds = array<i64: 2, 16>, scalar_prefetch = 0 : i64, scratch_operands = 3 : i64, tpu.core_type = #tpu.core_type<sc_vector_subcore>, window_params = [{transform_indices = #map}, {transform_indices = #map}, {transform_indices = #map1}]} {
    %mul3A = arith.constant 2 : i32
    %mul3A_0 = arith.muli %arg1, %mul3A : i32
    %add3A = arith.addi %mul3A_0, %arg0 : i32
    %mul3A_1 = arith.constant 5 : i32
    %mul3A_2 = arith.muli %add3A, %mul3A_1 : i32
    "tpu.region"() ({
      %run_scoped3A = tpu.sem_alloc : memref<!tpu.dma_semaphore, #tpu.memory_space<semaphore_mem>>
      %dma_start3A_123 = arith.constant 0 : i32
      %dma_start3A_124 = tpu.memref_slice %arg3[%mul3A_2, %dma_start3A_123] : memref<160x128xi32, #tpu.memory_space<hbm>> -> memref<5x128xi32, #tpu.memory_space<hbm>>
      %dma_start3A_125 = arith.constant 0 : i32
      %dma_start3A_126 = tpu.memref_slice %arg3[%mul3A_2, %dma_start3A_125] : memref<160x128xi32, #tpu.memory_space<hbm>> -> memref<5x128xi32, #tpu.memory_space<hbm>>
      tpu.enqueue_dma source(%dma_start3A_126 : memref<5x128xi32, #tpu.memory_space<hbm>>) target(%arg5 : memref<5x128xi32, #tpu.memory_space<vmem>>) target_semaphore(%run_scoped3A : memref<!tpu.dma_semaphore, #tpu.memory_space<semaphore_mem>>)
      %dma_wait3A_127 = arith.constant 0 : i32
      %dma_wait3A_128 = tpu.memref_slice %arg3[%mul3A_2, %dma_wait3A_127] : memref<160x128xi32, #tpu.memory_space<hbm>> -> memref<5x128xi32, #tpu.memory_space<hbm>>
      %dma_wait3A_129 = arith.constant 0 : i32
      %dma_wait3A_130 = tpu.memref_slice %arg3[%mul3A_2, %dma_wait3A_129] : memref<160x128xi32, #tpu.memory_space<hbm>> -> memref<5x128xi32, #tpu.memory_space<hbm>>
      tpu.wait_dma2 semaphore(%run_scoped3A : memref<!tpu.dma_semaphore, #tpu.memory_space<semaphore_mem>>) src(%dma_wait3A_130 : memref<5x128xi32, #tpu.memory_space<hbm>>) dst(%arg5 : memref<5x128xi32, #tpu.memory_space<vmem>>)
      tpu.yield
    }) : () -> ()
    %dma_start3A = arith.constant 0 : i32
    %dma_start3A_3 = arith.constant 0 : i32
    %dma_start3A_4 = arith.constant 0 : i32
    %dma_start3A_5 = arith.constant 0 : i32
    %dma_start3A_6 = tpu.memref_slice %arg6[%dma_start3A_3, %dma_start3A_4, %dma_start3A_5] : memref<5x128x16xf32, #tpu.memory_space<vmem>> -> memref<1x128x16xf32, #tpu.memory_space<vmem>>
    %dma_start3A_7 = tpu.memref_squeeze %dma_start3A_6 : memref<1x128x16xf32, #tpu.memory_space<vmem>> -> memref<128x16xf32, #tpu.memory_space<vmem>>
    %dma_start3A_8 = arith.constant 0 : i32
    %dma_start3A_9 = tpu.memref_slice %arg5[%dma_start3A, %dma_start3A_8] : memref<5x128xi32, #tpu.memory_space<vmem>> -> memref<1x128xi32, #tpu.memory_space<vmem>>
    %dma_start3A_10 = tpu.memref_squeeze %dma_start3A_9 : memref<1x128xi32, #tpu.memory_space<vmem>> -> memref<128xi32, #tpu.memory_space<vmem>>
    %dma_start3A_11 = arith.constant 0 : i32
    %dma_start3A_12 = arith.constant 0 : i32
    %dma_start3A_13 = tpu.memref_slice %arg2[%dma_start3A_11, %dma_start3A_12] : memref<405000x16xf32, #tpu.memory_space<hbm>> -> memref<405000x16xf32, #tpu.memory_space<hbm>>
    tpu.enqueue_indirect_dma source(%dma_start3A_13 : memref<405000x16xf32, #tpu.memory_space<hbm>>) target(%dma_start3A_7 : memref<128x16xf32, #tpu.memory_space<vmem>>) offsets(%dma_start3A_10 : memref<128xi32, #tpu.memory_space<vmem>>) semaphore(%arg7 : memref<!tpu.dma_semaphore, #tpu.memory_space<semaphore_mem>>)
    %dma_start3A_14 = arith.constant 1 : i32
    %dma_start3A_15 = arith.constant 1 : i32
    %dma_start3A_16 = arith.constant 0 : i32
    %dma_start3A_17 = arith.constant 0 : i32
    %dma_start3A_18 = tpu.memref_slice %arg6[%dma_start3A_15, %dma_start3A_16, %dma_start3A_17] : memref<5x128x16xf32, #tpu.memory_space<vmem>> -> memref<1x128x16xf32, #tpu.memory_space<vmem>>
    %dma_start3A_19 = tpu.memref_squeeze %dma_start3A_18 : memref<1x128x16xf32, #tpu.memory_space<vmem>> -> memref<128x16xf32, #tpu.memory_space<vmem>>
    %dma_start3A_20 = arith.constant 0 : i32
    %dma_start3A_21 = tpu.memref_slice %arg5[%dma_start3A_14, %dma_start3A_20] : memref<5x128xi32, #tpu.memory_space<vmem>> -> memref<1x128xi32, #tpu.memory_space<vmem>>
    %dma_start3A_22 = tpu.memref_squeeze %dma_start3A_21 : memref<1x128xi32, #tpu.memory_space<vmem>> -> memref<128xi32, #tpu.memory_space<vmem>>
    %dma_start3A_23 = arith.constant 0 : i32
    %dma_start3A_24 = arith.constant 0 : i32
    %dma_start3A_25 = tpu.memref_slice %arg2[%dma_start3A_23, %dma_start3A_24] : memref<405000x16xf32, #tpu.memory_space<hbm>> -> memref<405000x16xf32, #tpu.memory_space<hbm>>
    tpu.enqueue_indirect_dma source(%dma_start3A_25 : memref<405000x16xf32, #tpu.memory_space<hbm>>) target(%dma_start3A_19 : memref<128x16xf32, #tpu.memory_space<vmem>>) offsets(%dma_start3A_22 : memref<128xi32, #tpu.memory_space<vmem>>) semaphore(%arg7 : memref<!tpu.dma_semaphore, #tpu.memory_space<semaphore_mem>>)
    %dma_start3A_26 = arith.constant 2 : i32
    %dma_start3A_27 = arith.constant 2 : i32
    %dma_start3A_28 = arith.constant 0 : i32
    %dma_start3A_29 = arith.constant 0 : i32
    %dma_start3A_30 = tpu.memref_slice %arg6[%dma_start3A_27, %dma_start3A_28, %dma_start3A_29] : memref<5x128x16xf32, #tpu.memory_space<vmem>> -> memref<1x128x16xf32, #tpu.memory_space<vmem>>
    %dma_start3A_31 = tpu.memref_squeeze %dma_start3A_30 : memref<1x128x16xf32, #tpu.memory_space<vmem>> -> memref<128x16xf32, #tpu.memory_space<vmem>>
    %dma_start3A_32 = arith.constant 0 : i32
    %dma_start3A_33 = tpu.memref_slice %arg5[%dma_start3A_26, %dma_start3A_32] : memref<5x128xi32, #tpu.memory_space<vmem>> -> memref<1x128xi32, #tpu.memory_space<vmem>>
    %dma_start3A_34 = tpu.memref_squeeze %dma_start3A_33 : memref<1x128xi32, #tpu.memory_space<vmem>> -> memref<128xi32, #tpu.memory_space<vmem>>
    %dma_start3A_35 = arith.constant 0 : i32
    %dma_start3A_36 = arith.constant 0 : i32
    %dma_start3A_37 = tpu.memref_slice %arg2[%dma_start3A_35, %dma_start3A_36] : memref<405000x16xf32, #tpu.memory_space<hbm>> -> memref<405000x16xf32, #tpu.memory_space<hbm>>
    tpu.enqueue_indirect_dma source(%dma_start3A_37 : memref<405000x16xf32, #tpu.memory_space<hbm>>) target(%dma_start3A_31 : memref<128x16xf32, #tpu.memory_space<vmem>>) offsets(%dma_start3A_34 : memref<128xi32, #tpu.memory_space<vmem>>) semaphore(%arg7 : memref<!tpu.dma_semaphore, #tpu.memory_space<semaphore_mem>>)
    %dma_start3A_38 = arith.constant 3 : i32
    %dma_start3A_39 = arith.constant 3 : i32
    %dma_start3A_40 = arith.constant 0 : i32
    %dma_start3A_41 = arith.constant 0 : i32
    %dma_start3A_42 = tpu.memref_slice %arg6[%dma_start3A_39, %dma_start3A_40, %dma_start3A_41] : memref<5x128x16xf32, #tpu.memory_space<vmem>> -> memref<1x128x16xf32, #tpu.memory_space<vmem>>
    %dma_start3A_43 = tpu.memref_squeeze %dma_start3A_42 : memref<1x128x16xf32, #tpu.memory_space<vmem>> -> memref<128x16xf32, #tpu.memory_space<vmem>>
    %dma_start3A_44 = arith.constant 0 : i32
    %dma_start3A_45 = tpu.memref_slice %arg5[%dma_start3A_38, %dma_start3A_44] : memref<5x128xi32, #tpu.memory_space<vmem>> -> memref<1x128xi32, #tpu.memory_space<vmem>>
    %dma_start3A_46 = tpu.memref_squeeze %dma_start3A_45 : memref<1x128xi32, #tpu.memory_space<vmem>> -> memref<128xi32, #tpu.memory_space<vmem>>
    %dma_start3A_47 = arith.constant 0 : i32
    %dma_start3A_48 = arith.constant 0 : i32
    %dma_start3A_49 = tpu.memref_slice %arg2[%dma_start3A_47, %dma_start3A_48] : memref<405000x16xf32, #tpu.memory_space<hbm>> -> memref<405000x16xf32, #tpu.memory_space<hbm>>
    tpu.enqueue_indirect_dma source(%dma_start3A_49 : memref<405000x16xf32, #tpu.memory_space<hbm>>) target(%dma_start3A_43 : memref<128x16xf32, #tpu.memory_space<vmem>>) offsets(%dma_start3A_46 : memref<128xi32, #tpu.memory_space<vmem>>) semaphore(%arg7 : memref<!tpu.dma_semaphore, #tpu.memory_space<semaphore_mem>>)
    %dma_start3A_50 = arith.constant 4 : i32
    %dma_start3A_51 = arith.constant 4 : i32
    %dma_start3A_52 = arith.constant 0 : i32
    %dma_start3A_53 = arith.constant 0 : i32
    %dma_start3A_54 = tpu.memref_slice %arg6[%dma_start3A_51, %dma_start3A_52, %dma_start3A_53] : memref<5x128x16xf32, #tpu.memory_space<vmem>> -> memref<1x128x16xf32, #tpu.memory_space<vmem>>
    %dma_start3A_55 = tpu.memref_squeeze %dma_start3A_54 : memref<1x128x16xf32, #tpu.memory_space<vmem>> -> memref<128x16xf32, #tpu.memory_space<vmem>>
    %dma_start3A_56 = arith.constant 0 : i32
    %dma_start3A_57 = tpu.memref_slice %arg5[%dma_start3A_50, %dma_start3A_56] : memref<5x128xi32, #tpu.memory_space<vmem>> -> memref<1x128xi32, #tpu.memory_space<vmem>>
    %dma_start3A_58 = tpu.memref_squeeze %dma_start3A_57 : memref<1x128xi32, #tpu.memory_space<vmem>> -> memref<128xi32, #tpu.memory_space<vmem>>
    %dma_start3A_59 = arith.constant 0 : i32
    %dma_start3A_60 = arith.constant 0 : i32
    %dma_start3A_61 = tpu.memref_slice %arg2[%dma_start3A_59, %dma_start3A_60] : memref<405000x16xf32, #tpu.memory_space<hbm>> -> memref<405000x16xf32, #tpu.memory_space<hbm>>
    tpu.enqueue_indirect_dma source(%dma_start3A_61 : memref<405000x16xf32, #tpu.memory_space<hbm>>) target(%dma_start3A_55 : memref<128x16xf32, #tpu.memory_space<vmem>>) offsets(%dma_start3A_58 : memref<128xi32, #tpu.memory_space<vmem>>) semaphore(%arg7 : memref<!tpu.dma_semaphore, #tpu.memory_space<semaphore_mem>>)
    %dma_wait3A = arith.constant 0 : i32
    %dma_wait3A_62 = arith.constant 0 : i32
    %dma_wait3A_63 = arith.constant 0 : i32
    %dma_wait3A_64 = arith.constant 0 : i32
    %dma_wait3A_65 = tpu.memref_slice %arg6[%dma_wait3A_62, %dma_wait3A_63, %dma_wait3A_64] : memref<5x128x16xf32, #tpu.memory_space<vmem>> -> memref<1x128x16xf32, #tpu.memory_space<vmem>>
    %dma_wait3A_66 = tpu.memref_squeeze %dma_wait3A_65 : memref<1x128x16xf32, #tpu.memory_space<vmem>> -> memref<128x16xf32, #tpu.memory_space<vmem>>
    %dma_wait3A_67 = arith.constant 0 : i32
    %dma_wait3A_68 = tpu.memref_slice %arg5[%dma_wait3A, %dma_wait3A_67] : memref<5x128xi32, #tpu.memory_space<vmem>> -> memref<1x128xi32, #tpu.memory_space<vmem>>
    %dma_wait3A_69 = tpu.memref_squeeze %dma_wait3A_68 : memref<1x128xi32, #tpu.memory_space<vmem>> -> memref<128xi32, #tpu.memory_space<vmem>>
    %dma_wait3A_70 = arith.constant 0 : i32
    %dma_wait3A_71 = arith.constant 0 : i32
    %dma_wait3A_72 = tpu.memref_slice %arg2[%dma_wait3A_70, %dma_wait3A_71] : memref<405000x16xf32, #tpu.memory_space<hbm>> -> memref<405000x16xf32, #tpu.memory_space<hbm>>
    tpu.wait_indirect_dma semaphore(%arg7 : memref<!tpu.dma_semaphore, #tpu.memory_space<semaphore_mem>>) src(%dma_wait3A_72 : memref<405000x16xf32, #tpu.memory_space<hbm>>) dst(%dma_wait3A_66 : memref<128x16xf32, #tpu.memory_space<vmem>>)
    %dma_wait3A_73 = arith.constant 1 : i32
    %dma_wait3A_74 = arith.constant 1 : i32
    %dma_wait3A_75 = arith.constant 0 : i32
    %dma_wait3A_76 = arith.constant 0 : i32
    %dma_wait3A_77 = tpu.memref_slice %arg6[%dma_wait3A_74, %dma_wait3A_75, %dma_wait3A_76] : memref<5x128x16xf32, #tpu.memory_space<vmem>> -> memref<1x128x16xf32, #tpu.memory_space<vmem>>
    %dma_wait3A_78 = tpu.memref_squeeze %dma_wait3A_77 : memref<1x128x16xf32, #tpu.memory_space<vmem>> -> memref<128x16xf32, #tpu.memory_space<vmem>>
    %dma_wait3A_79 = arith.constant 0 : i32
    %dma_wait3A_80 = tpu.memref_slice %arg5[%dma_wait3A_73, %dma_wait3A_79] : memref<5x128xi32, #tpu.memory_space<vmem>> -> memref<1x128xi32, #tpu.memory_space<vmem>>
    %dma_wait3A_81 = tpu.memref_squeeze %dma_wait3A_80 : memref<1x128xi32, #tpu.memory_space<vmem>> -> memref<128xi32, #tpu.memory_space<vmem>>
    %dma_wait3A_82 = arith.constant 0 : i32
    %dma_wait3A_83 = arith.constant 0 : i32
    %dma_wait3A_84 = tpu.memref_slice %arg2[%dma_wait3A_82, %dma_wait3A_83] : memref<405000x16xf32, #tpu.memory_space<hbm>> -> memref<405000x16xf32, #tpu.memory_space<hbm>>
    tpu.wait_indirect_dma semaphore(%arg7 : memref<!tpu.dma_semaphore, #tpu.memory_space<semaphore_mem>>) src(%dma_wait3A_84 : memref<405000x16xf32, #tpu.memory_space<hbm>>) dst(%dma_wait3A_78 : memref<128x16xf32, #tpu.memory_space<vmem>>)
    %dma_wait3A_85 = arith.constant 2 : i32
    %dma_wait3A_86 = arith.constant 2 : i32
    %dma_wait3A_87 = arith.constant 0 : i32
    %dma_wait3A_88 = arith.constant 0 : i32
    %dma_wait3A_89 = tpu.memref_slice %arg6[%dma_wait3A_86, %dma_wait3A_87, %dma_wait3A_88] : memref<5x128x16xf32, #tpu.memory_space<vmem>> -> memref<1x128x16xf32, #tpu.memory_space<vmem>>
    %dma_wait3A_90 = tpu.memref_squeeze %dma_wait3A_89 : memref<1x128x16xf32, #tpu.memory_space<vmem>> -> memref<128x16xf32, #tpu.memory_space<vmem>>
    %dma_wait3A_91 = arith.constant 0 : i32
    %dma_wait3A_92 = tpu.memref_slice %arg5[%dma_wait3A_85, %dma_wait3A_91] : memref<5x128xi32, #tpu.memory_space<vmem>> -> memref<1x128xi32, #tpu.memory_space<vmem>>
    %dma_wait3A_93 = tpu.memref_squeeze %dma_wait3A_92 : memref<1x128xi32, #tpu.memory_space<vmem>> -> memref<128xi32, #tpu.memory_space<vmem>>
    %dma_wait3A_94 = arith.constant 0 : i32
    %dma_wait3A_95 = arith.constant 0 : i32
    %dma_wait3A_96 = tpu.memref_slice %arg2[%dma_wait3A_94, %dma_wait3A_95] : memref<405000x16xf32, #tpu.memory_space<hbm>> -> memref<405000x16xf32, #tpu.memory_space<hbm>>
    tpu.wait_indirect_dma semaphore(%arg7 : memref<!tpu.dma_semaphore, #tpu.memory_space<semaphore_mem>>) src(%dma_wait3A_96 : memref<405000x16xf32, #tpu.memory_space<hbm>>) dst(%dma_wait3A_90 : memref<128x16xf32, #tpu.memory_space<vmem>>)
    %dma_wait3A_97 = arith.constant 3 : i32
    %dma_wait3A_98 = arith.constant 3 : i32
    %dma_wait3A_99 = arith.constant 0 : i32
    %dma_wait3A_100 = arith.constant 0 : i32
    %dma_wait3A_101 = tpu.memref_slice %arg6[%dma_wait3A_98, %dma_wait3A_99, %dma_wait3A_100] : memref<5x128x16xf32, #tpu.memory_space<vmem>> -> memref<1x128x16xf32, #tpu.memory_space<vmem>>
    %dma_wait3A_102 = tpu.memref_squeeze %dma_wait3A_101 : memref<1x128x16xf32, #tpu.memory_space<vmem>> -> memref<128x16xf32, #tpu.memory_space<vmem>>
    %dma_wait3A_103 = arith.constant 0 : i32
    %dma_wait3A_104 = tpu.memref_slice %arg5[%dma_wait3A_97, %dma_wait3A_103] : memref<5x128xi32, #tpu.memory_space<vmem>> -> memref<1x128xi32, #tpu.memory_space<vmem>>
    %dma_wait3A_105 = tpu.memref_squeeze %dma_wait3A_104 : memref<1x128xi32, #tpu.memory_space<vmem>> -> memref<128xi32, #tpu.memory_space<vmem>>
    %dma_wait3A_106 = arith.constant 0 : i32
    %dma_wait3A_107 = arith.constant 0 : i32
    %dma_wait3A_108 = tpu.memref_slice %arg2[%dma_wait3A_106, %dma_wait3A_107] : memref<405000x16xf32, #tpu.memory_space<hbm>> -> memref<405000x16xf32, #tpu.memory_space<hbm>>
    tpu.wait_indirect_dma semaphore(%arg7 : memref<!tpu.dma_semaphore, #tpu.memory_space<semaphore_mem>>) src(%dma_wait3A_108 : memref<405000x16xf32, #tpu.memory_space<hbm>>) dst(%dma_wait3A_102 : memref<128x16xf32, #tpu.memory_space<vmem>>)
    %dma_wait3A_109 = arith.constant 4 : i32
    %dma_wait3A_110 = arith.constant 4 : i32
    %dma_wait3A_111 = arith.constant 0 : i32
    %dma_wait3A_112 = arith.constant 0 : i32
    %dma_wait3A_113 = tpu.memref_slice %arg6[%dma_wait3A_110, %dma_wait3A_111, %dma_wait3A_112] : memref<5x128x16xf32, #tpu.memory_space<vmem>> -> memref<1x128x16xf32, #tpu.memory_space<vmem>>
    %dma_wait3A_114 = tpu.memref_squeeze %dma_wait3A_113 : memref<1x128x16xf32, #tpu.memory_space<vmem>> -> memref<128x16xf32, #tpu.memory_space<vmem>>
    %dma_wait3A_115 = arith.constant 0 : i32
    %dma_wait3A_116 = tpu.memref_slice %arg5[%dma_wait3A_109, %dma_wait3A_115] : memref<5x128xi32, #tpu.memory_space<vmem>> -> memref<1x128xi32, #tpu.memory_space<vmem>>
    %dma_wait3A_117 = tpu.memref_squeeze %dma_wait3A_116 : memref<1x128xi32, #tpu.memory_space<vmem>> -> memref<128xi32, #tpu.memory_space<vmem>>
    %dma_wait3A_118 = arith.constant 0 : i32
    %dma_wait3A_119 = arith.constant 0 : i32
    %dma_wait3A_120 = tpu.memref_slice %arg2[%dma_wait3A_118, %dma_wait3A_119] : memref<405000x16xf32, #tpu.memory_space<hbm>> -> memref<405000x16xf32, #tpu.memory_space<hbm>>
    tpu.wait_indirect_dma semaphore(%arg7 : memref<!tpu.dma_semaphore, #tpu.memory_space<semaphore_mem>>) src(%dma_wait3A_120 : memref<405000x16xf32, #tpu.memory_space<hbm>>) dst(%dma_wait3A_114 : memref<128x16xf32, #tpu.memory_space<vmem>>)
    %mul3A_121 = arith.constant 5 : i32
    %mul3A_122 = arith.muli %add3A, %mul3A_121 : i32
    "tpu.region"() ({
      %run_scoped3A = tpu.sem_alloc : memref<!tpu.dma_semaphore, #tpu.memory_space<semaphore_mem>>
      %dma_start3A_123 = arith.constant 0 : i32
      %dma_start3A_124 = arith.constant 0 : i32
      %dma_start3A_125 = tpu.memref_slice %arg4[%mul3A_122, %dma_start3A_123, %dma_start3A_124] : memref<160x128x16xf32, #tpu.memory_space<hbm>> -> memref<5x128x16xf32, #tpu.memory_space<hbm>>
      %dma_start3A_126 = arith.constant 0 : i32
      %dma_start3A_127 = arith.constant 0 : i32
      %dma_start3A_128 = tpu.memref_slice %arg4[%mul3A_122, %dma_start3A_126, %dma_start3A_127] : memref<160x128x16xf32, #tpu.memory_space<hbm>> -> memref<5x128x16xf32, #tpu.memory_space<hbm>>
      tpu.enqueue_dma source(%arg6 : memref<5x128x16xf32, #tpu.memory_space<vmem>>) target(%dma_start3A_128 : memref<5x128x16xf32, #tpu.memory_space<hbm>>) target_semaphore(%run_scoped3A : memref<!tpu.dma_semaphore, #tpu.memory_space<semaphore_mem>>)
      %dma_wait3A_129 = arith.constant 0 : i32
      %dma_wait3A_130 = arith.constant 0 : i32
      %dma_wait3A_131 = tpu.memref_slice %arg4[%mul3A_122, %dma_wait3A_129, %dma_wait3A_130] : memref<160x128x16xf32, #tpu.memory_space<hbm>> -> memref<5x128x16xf32, #tpu.memory_space<hbm>>
      %dma_wait3A_132 = arith.constant 0 : i32
      %dma_wait3A_133 = arith.constant 0 : i32
      %dma_wait3A_134 = tpu.memref_slice %arg4[%mul3A_122, %dma_wait3A_132, %dma_wait3A_133] : memref<160x128x16xf32, #tpu.memory_space<hbm>> -> memref<5x128x16xf32, #tpu.memory_space<hbm>>
      tpu.wait_dma2 semaphore(%run_scoped3A : memref<!tpu.dma_semaphore, #tpu.memory_space<semaphore_mem>>) src(%arg6 : memref<5x128x16xf32, #tpu.memory_space<vmem>>) dst(%dma_wait3A_134 : memref<5x128x16xf32, #tpu.memory_space<hbm>>)
      tpu.yield
    }) : () -> ()
    return
  }
}

module attributes {stable_mosaic.version = 14 : i64} {
  func.func @_argmax_kernel(%arg0: i32, %arg1: i32, %arg2: memref<1x1000x81xf32, #tpu.memory_space<vmem>>, %arg3: memref<1x1000x1xi32, #tpu.memory_space<vmem>>, %arg4: memref<1x1000x1xf32, #tpu.memory_space<vmem>>) attributes {dimension_semantics = [#tpu.dimension_semantics<arbitrary>, #tpu.dimension_semantics<arbitrary>], iteration_bounds = array<i64: 4, 5>, scalar_prefetch = 0 : i64, scratch_operands = 0 : i64, tpu.core_type = #tpu.core_type<tc>, window_params = [{transform_indices = @transform_0, window_bounds = array<i64: 1, 1000, 81>}, {transform_indices = @transform_1, window_bounds = array<i64: 1, 1000, 1>}, {transform_indices = @transform_2, window_bounds = array<i64: 1, 1000, 1>}]} {
    %get3A = arith.constant 0 : index
    %get3A_0 = arith.constant 0 : index
    %get3A_1 = arith.constant 0 : index
    %get3A_2 = vector.load %arg2[%get3A, %get3A_0, %get3A_1] : memref<1x1000x81xf32, #tpu.memory_space<vmem>>, vector<1x1000x81xf32>
    %get3A_3 = vector.shape_cast %get3A_2 : vector<1x1000x81xf32> to vector<1000x81xf32>
    %iota3A = tpu.iota {dimensions = array<i32: 1>} : vector<1000x81xi32>
    %reduce_max3A = arith.constant dense<0xFF800000> : vector<1000xf32>
    %reduce_max3A_4 = vector.multi_reduction <maximumf>, %get3A_3, %reduce_max3A [1] : vector<1000x81xf32> to vector<1000xf32>
    %broadcast_in_dim3A = vector.shape_cast %reduce_max3A_4 : vector<1000xf32> to vector<1000x1xf32>
    %eq3A = vector.broadcast %broadcast_in_dim3A : vector<1000x1xf32> to vector<1000x81xf32>
    %eq3A_5 = arith.cmpf oeq, %get3A_3, %eq3A : vector<1000x81xf32>
    %jit3A = arith.constant 81 : i32
    %broadcast_in_dim3A_6 = vector.broadcast %jit3A : i32 to vector<1000x81xi32>
    %select_n3A = arith.select %eq3A_5, %iota3A, %broadcast_in_dim3A_6 : vector<1000x81xi1>, vector<1000x81xi32>
    %reduce_min3A = arith.constant dense<2147483647> : vector<1000xi32>
    %reduce_min3A_7 = vector.multi_reduction <minsi>, %select_n3A, %reduce_min3A [1] : vector<1000x81xi32> to vector<1000xi32>
    %broadcast_in_dim3A_8 = vector.shape_cast %reduce_min3A_7 : vector<1000xi32> to vector<1000x1xi32>
    %sub3A = vector.broadcast %broadcast_in_dim3A : vector<1000x1xf32> to vector<1000x81xf32>
    %sub3A_9 = arith.subf %get3A_3, %sub3A : vector<1000x81xf32>
    %exp3A = math.exp %sub3A_9 : vector<1000x81xf32>
    %reduce_sum3A = arith.constant dense<0.000000e+00> : vector<1000xf32>
    %reduce_sum3A_10 = vector.multi_reduction <add>, %exp3A, %reduce_sum3A [1] : vector<1000x81xf32> to vector<1000xf32>
    %broadcast_in_dim3A_11 = vector.shape_cast %reduce_sum3A_10 : vector<1000xf32> to vector<1000x1xf32>
    %log3A = math.log %broadcast_in_dim3A_11 : vector<1000x1xf32>
    %add3A = arith.addf %broadcast_in_dim3A, %log3A : vector<1000x1xf32>
    %iota3A_12 = tpu.iota {dimensions = array<i32: 0>} : vector<1000x1xi32>
    %mul3A = arith.constant 5000 : i32
    %mul3A_13 = arith.muli %arg0, %mul3A : i32
    %mul3A_14 = arith.constant 1000 : i32
    %mul3A_15 = arith.muli %arg1, %mul3A_14 : i32
    %add3A_16 = arith.addi %mul3A_13, %mul3A_15 : i32
    %add3A_17 = vector.broadcast %add3A_16 : i32 to vector<1000x1xi32>
    %add3A_18 = arith.addi %add3A_17, %iota3A_12 : vector<1000x1xi32>
    %mul3A_19 = arith.constant 81 : i32
    %mul3A_20 = vector.broadcast %mul3A_19 : i32 to vector<1000x1xi32>
    %mul3A_21 = arith.muli %add3A_18, %mul3A_20 : vector<1000x1xi32>
    %add3A_22 = arith.addi %mul3A_21, %broadcast_in_dim3A_8 : vector<1000x1xi32>
    %swap3A = arith.constant 0 : index
    %swap3A_23 = arith.constant 0 : index
    %swap3A_24 = arith.constant 0 : index
    %swap3A_25 = vector.load %arg3[%swap3A, %swap3A_23, %swap3A_24] : memref<1x1000x1xi32, #tpu.memory_space<vmem>>, vector<1x1000x1xi32>
    %swap3A_26 = vector.shape_cast %swap3A_25 : vector<1x1000x1xi32> to vector<1000x1xi32>
    %swap3A_27 = vector.shape_cast %add3A_22 : vector<1000x1xi32> to vector<1x1000x1xi32>
    tpu.vector_store %arg3[%swap3A, %swap3A_23, %swap3A_24], %swap3A_27 {strides = array<i32>} : memref<1x1000x1xi32, #tpu.memory_space<vmem>>, vector<1x1000x1xi32>,
    %swap3A_28 = arith.constant 0 : index
    %swap3A_29 = arith.constant 0 : index
    %swap3A_30 = arith.constant 0 : index
    %swap3A_31 = vector.load %arg4[%swap3A_28, %swap3A_29, %swap3A_30] : memref<1x1000x1xf32, #tpu.memory_space<vmem>>, vector<1x1000x1xf32>
    %swap3A_32 = vector.shape_cast %swap3A_31 : vector<1x1000x1xf32> to vector<1000x1xf32>
    %swap3A_33 = vector.shape_cast %add3A : vector<1000x1xf32> to vector<1x1000x1xf32>
    tpu.vector_store %arg4[%swap3A_28, %swap3A_29, %swap3A_30], %swap3A_33 {strides = array<i32>} : memref<1x1000x1xf32, #tpu.memory_space<vmem>>, vector<1x1000x1xf32>,
    return
  }
  func.func @transform_0(%arg0: i32, %arg1: i32) -> (i32, i32, i32) {
    %c0_i32 = arith.constant 0 : i32
    %c0_i32_0 = arith.constant 0 : i32
    return %arg0, %arg1, %c0_i32 : i32, i32, i32
  }
  func.func @transform_1(%arg0: i32, %arg1: i32) -> (i32, i32, i32) {
    %c0_i32 = arith.constant 0 : i32
    %c0_i32_0 = arith.constant 0 : i32
    return %arg0, %arg1, %c0_i32 : i32, i32, i32
  }
  func.func @transform_2(%arg0: i32, %arg1: i32) -> (i32, i32, i32) {
    %c0_i32 = arith.constant 0 : i32
    %c0_i32_0 = arith.constant 0 : i32
    return %arg0, %arg1, %c0_i32 : i32, i32, i32
  }
}

module attributes {stable_mosaic.version = 14 : i64} {
  func.func @_loss_kernel(%arg0: i32, %arg1: i32, %arg2: memref<1x1000x81xf32, #tpu.memory_space<vmem>>, %arg3: memref<1x1000x16xf32, #tpu.memory_space<vmem>>, %arg4: memref<1x1000x1xi32, #tpu.memory_space<vmem>>, %arg5: memref<1x1000x1xf32, #tpu.memory_space<vmem>>, %arg6: memref<1x1000x4xf32, #tpu.memory_space<vmem>>, %arg7: memref<1x4x100xf32, #tpu.memory_space<vmem>>, %arg8: memref<1x1x100xf32, #tpu.memory_space<vmem>>, %arg9: memref<1x1x128xf32, #tpu.memory_space<vmem>>) attributes {dimension_semantics = [#tpu.dimension_semantics<arbitrary>, #tpu.dimension_semantics<arbitrary>], iteration_bounds = array<i64: 4, 5>, scalar_prefetch = 0 : i64, scratch_operands = 0 : i64, tpu.core_type = #tpu.core_type<tc>, window_params = [{transform_indices = @transform_0, window_bounds = array<i64: 1, 1000, 81>}, {transform_indices = @transform_1, window_bounds = array<i64: 1, 1000, 16>}, {transform_indices = @transform_2, window_bounds = array<i64: 1, 1000, 1>}, {transform_indices = @transform_3, window_bounds = array<i64: 1, 1000, 1>}, {transform_indices = @transform_4, window_bounds = array<i64: 1, 1000, 4>}, {transform_indices = @transform_5, window_bounds = array<i64: 1, 4, 100>}, {transform_indices = @transform_6, window_bounds = array<i64: 1, 1, 100>}, {transform_indices = @transform_7, window_bounds = array<i64: 1, 1, 128>}]} {
    %get3A = arith.constant 0 : index
    %get3A_0 = arith.constant 0 : index
    %get3A_1 = arith.constant 0 : index
    %get3A_2 = vector.load %arg2[%get3A, %get3A_0, %get3A_1] : memref<1x1000x81xf32, #tpu.memory_space<vmem>>, vector<1x1000x81xf32>
    %get3A_3 = vector.shape_cast %get3A_2 : vector<1x1000x81xf32> to vector<1000x81xf32>
    %get3A_4 = arith.constant 0 : index
    %get3A_5 = arith.constant 0 : index
    %get3A_6 = arith.constant 0 : index
    %get3A_7 = vector.load %arg3[%get3A_4, %get3A_5, %get3A_6] : memref<1x1000x16xf32, #tpu.memory_space<vmem>>, vector<1x1000x16xf32>
    %get3A_8 = vector.shape_cast %get3A_7 : vector<1x1000x16xf32> to vector<1000x16xf32>
    %get3A_9 = arith.constant 0 : index
    %get3A_10 = arith.constant 0 : index
    %get3A_11 = arith.constant 0 : index
    %get3A_12 = vector.load %arg4[%get3A_9, %get3A_10, %get3A_11] : memref<1x1000x1xi32, #tpu.memory_space<vmem>>, vector<1x1000x1xi32>
    %get3A_13 = vector.shape_cast %get3A_12 : vector<1x1000x1xi32> to vector<1000x1xi32>
    %get3A_14 = arith.constant 0 : index
    %get3A_15 = arith.constant 0 : index
    %get3A_16 = arith.constant 0 : index
    %get3A_17 = vector.load %arg5[%get3A_14, %get3A_15, %get3A_16] : memref<1x1000x1xf32, #tpu.memory_space<vmem>>, vector<1x1000x1xf32>
    %get3A_18 = vector.shape_cast %get3A_17 : vector<1x1000x1xf32> to vector<1000x1xf32>
    %get3A_19 = arith.constant 0 : index
    %get3A_20 = arith.constant 0 : index
    %get3A_21 = arith.constant 0 : index
    %get3A_22 = vector.load %arg6[%get3A_19, %get3A_20, %get3A_21] : memref<1x1000x4xf32, #tpu.memory_space<vmem>>, vector<1x1000x4xf32>
    %get3A_23 = vector.shape_cast %get3A_22 : vector<1x1000x4xf32> to vector<1000x4xf32>
    %get3A_24 = arith.constant 0 : index
    %get3A_25 = arith.constant 0 : index
    %get3A_26 = arith.constant 0 : index
    %get3A_27 = vector.load %arg7[%get3A_24, %get3A_25, %get3A_26] : memref<1x4x100xf32, #tpu.memory_space<vmem>>, vector<1x4x100xf32>
    %get3A_28 = vector.shape_cast %get3A_27 : vector<1x4x100xf32> to vector<4x100xf32>
    %get3A_29 = arith.constant 0 : index
    %get3A_30 = arith.constant 0 : index
    %get3A_31 = arith.constant 0 : index
    %get3A_32 = vector.load %arg8[%get3A_29, %get3A_30, %get3A_31] : memref<1x1x100xf32, #tpu.memory_space<vmem>>, vector<1x1x100xf32>
    %get3A_33 = vector.shape_cast %get3A_32 : vector<1x1x100xf32> to vector<1x100xf32>
    %and3A = arith.constant 3 : i32
    %and3A_34 = vector.broadcast %and3A : i32 to vector<1000x1xi32>
    %and3A_35 = arith.andi %get3A_13, %and3A_34 : vector<1000x1xi32>
    %mul3A = arith.constant 4 : i32
    %mul3A_36 = vector.broadcast %mul3A : i32 to vector<1000x1xi32>
    %mul3A_37 = arith.muli %and3A_35, %mul3A_36 : vector<1000x1xi32>
    %iota3A = tpu.iota {dimensions = array<i32: 1>} : vector<1000x16xi32>
    %add3A = arith.constant 0 : i32
    %add3A_38 = vector.broadcast %add3A : i32 to vector<1000x1xi32>
    %add3A_39 = arith.addi %mul3A_37, %add3A_38 : vector<1000x1xi32>
    %eq3A = vector.broadcast %add3A_39 : vector<1000x1xi32> to vector<1000x16xi32>
    %eq3A_40 = arith.cmpi eq, %iota3A, %eq3A : vector<1000x16xi32>
    %jit3A = arith.constant 0.000000e+00 : f32
    %broadcast_in_dim3A = vector.broadcast %jit3A : f32 to vector<1000x16xf32>
    %select_n3A = arith.select %eq3A_40, %get3A_8, %broadcast_in_dim3A : vector<1000x16xi1>, vector<1000x16xf32>
    %reduce_sum3A = arith.constant dense<0.000000e+00> : vector<1000xf32>
    %reduce_sum3A_41 = vector.multi_reduction <add>, %select_n3A, %reduce_sum3A [1] : vector<1000x16xf32> to vector<1000xf32>
    %broadcast_in_dim3A_42 = vector.shape_cast %reduce_sum3A_41 : vector<1000xf32> to vector<1000x1xf32>
    %slice3A = vector.extract_strided_slice %get3A_23 {offsets = [0, 0], sizes = [1000, 1], strides = [1, 1]} : vector<1000x4xf32> to vector<1000x1xf32>
    %add3A_43 = arith.addf %slice3A, %broadcast_in_dim3A_42 : vector<1000x1xf32>
    %add3A_44 = arith.constant 1 : i32
    %add3A_45 = vector.broadcast %add3A_44 : i32 to vector<1000x1xi32>
    %add3A_46 = arith.addi %mul3A_37, %add3A_45 : vector<1000x1xi32>
    %eq3A_47 = vector.broadcast %add3A_46 : vector<1000x1xi32> to vector<1000x16xi32>
    %eq3A_48 = arith.cmpi eq, %iota3A, %eq3A_47 : vector<1000x16xi32>
    %jit3A_49 = arith.constant 0.000000e+00 : f32
    %broadcast_in_dim3A_50 = vector.broadcast %jit3A_49 : f32 to vector<1000x16xf32>
    %select_n3A_51 = arith.select %eq3A_48, %get3A_8, %broadcast_in_dim3A_50 : vector<1000x16xi1>, vector<1000x16xf32>
    %reduce_sum3A_52 = arith.constant dense<0.000000e+00> : vector<1000xf32>
    %reduce_sum3A_53 = vector.multi_reduction <add>, %select_n3A_51, %reduce_sum3A_52 [1] : vector<1000x16xf32> to vector<1000xf32>
    %broadcast_in_dim3A_54 = vector.shape_cast %reduce_sum3A_53 : vector<1000xf32> to vector<1000x1xf32>
    %slice3A_55 = vector.extract_strided_slice %get3A_23 {offsets = [0, 1], sizes = [1000, 1], strides = [1, 1]} : vector<1000x4xf32> to vector<1000x1xf32>
    %add3A_56 = arith.addf %slice3A_55, %broadcast_in_dim3A_54 : vector<1000x1xf32>
    %add3A_57 = arith.constant 2 : i32
    %add3A_58 = vector.broadcast %add3A_57 : i32 to vector<1000x1xi32>
    %add3A_59 = arith.addi %mul3A_37, %add3A_58 : vector<1000x1xi32>
    %eq3A_60 = vector.broadcast %add3A_59 : vector<1000x1xi32> to vector<1000x16xi32>
    %eq3A_61 = arith.cmpi eq, %iota3A, %eq3A_60 : vector<1000x16xi32>
    %jit3A_62 = arith.constant 0.000000e+00 : f32
    %broadcast_in_dim3A_63 = vector.broadcast %jit3A_62 : f32 to vector<1000x16xf32>
    %select_n3A_64 = arith.select %eq3A_61, %get3A_8, %broadcast_in_dim3A_63 : vector<1000x16xi1>, vector<1000x16xf32>
    %reduce_sum3A_65 = arith.constant dense<0.000000e+00> : vector<1000xf32>
    %reduce_sum3A_66 = vector.multi_reduction <add>, %select_n3A_64, %reduce_sum3A_65 [1] : vector<1000x16xf32> to vector<1000xf32>
    %broadcast_in_dim3A_67 = vector.shape_cast %reduce_sum3A_66 : vector<1000xf32> to vector<1000x1xf32>
    %slice3A_68 = vector.extract_strided_slice %get3A_23 {offsets = [0, 2], sizes = [1000, 1], strides = [1, 1]} : vector<1000x4xf32> to vector<1000x1xf32>
    %add3A_69 = arith.addf %slice3A_68, %broadcast_in_dim3A_67 : vector<1000x1xf32>
    %add3A_70 = arith.constant 3 : i32
    %add3A_71 = vector.broadcast %add3A_70 : i32 to vector<1000x1xi32>
    %add3A_72 = arith.addi %mul3A_37, %add3A_71 : vector<1000x1xi32>
    %eq3A_73 = vector.broadcast %add3A_72 : vector<1000x1xi32> to vector<1000x16xi32>
    %eq3A_74 = arith.cmpi eq, %iota3A, %eq3A_73 : vector<1000x16xi32>
    %jit3A_75 = arith.constant 0.000000e+00 : f32
    %broadcast_in_dim3A_76 = vector.broadcast %jit3A_75 : f32 to vector<1000x16xf32>
    %select_n3A_77 = arith.select %eq3A_74, %get3A_8, %broadcast_in_dim3A_76 : vector<1000x16xi1>, vector<1000x16xf32>
    %reduce_sum3A_78 = arith.constant dense<0.000000e+00> : vector<1000xf32>
    %reduce_sum3A_79 = vector.multi_reduction <add>, %select_n3A_77, %reduce_sum3A_78 [1] : vector<1000x16xf32> to vector<1000xf32>
    %broadcast_in_dim3A_80 = vector.shape_cast %reduce_sum3A_79 : vector<1000xf32> to vector<1000x1xf32>
    %slice3A_81 = vector.extract_strided_slice %get3A_23 {offsets = [0, 3], sizes = [1000, 1], strides = [1, 1]} : vector<1000x4xf32> to vector<1000x1xf32>
    %add3A_82 = arith.addf %slice3A_81, %broadcast_in_dim3A_80 : vector<1000x1xf32>
    %slice3A_83 = vector.extract_strided_slice %get3A_28 {offsets = [0, 0], sizes = [1, 100], strides = [1, 1]} : vector<4x100xf32> to vector<1x100xf32>
    %slice3A_84 = vector.extract_strided_slice %get3A_28 {offsets = [1, 0], sizes = [1, 100], strides = [1, 1]} : vector<4x100xf32> to vector<1x100xf32>
    %slice3A_85 = vector.extract_strided_slice %get3A_28 {offsets = [2, 0], sizes = [1, 100], strides = [1, 1]} : vector<4x100xf32> to vector<1x100xf32>
    %slice3A_86 = vector.extract_strided_slice %get3A_28 {offsets = [3, 0], sizes = [1, 100], strides = [1, 1]} : vector<4x100xf32> to vector<1x100xf32>
    %sub3A = arith.subf %add3A_69, %add3A_43 : vector<1000x1xf32>
    %sub3A_87 = arith.subf %add3A_82, %add3A_56 : vector<1000x1xf32>
    %mul3A_88 = arith.mulf %sub3A, %sub3A_87 : vector<1000x1xf32>
    %sub3A_89 = arith.subf %slice3A_85, %slice3A_83 : vector<1x100xf32>
    %sub3A_90 = arith.subf %slice3A_86, %slice3A_84 : vector<1x100xf32>
    %mul3A_91 = arith.mulf %sub3A_89, %sub3A_90 : vector<1x100xf32>
    %min3A = vector.broadcast %add3A_69 : vector<1000x1xf32> to vector<1000x100xf32>
    %min3A_92 = vector.broadcast %slice3A_85 : vector<1x100xf32> to vector<1000x100xf32>
    %min3A_93 = arith.minimumf %min3A, %min3A_92 : vector<1000x100xf32>
    %max3A = vector.broadcast %add3A_43 : vector<1000x1xf32> to vector<1000x100xf32>
    %max3A_94 = vector.broadcast %slice3A_83 : vector<1x100xf32> to vector<1000x100xf32>
    %max3A_95 = arith.maximumf %max3A, %max3A_94 : vector<1000x100xf32>
    %sub3A_96 = arith.subf %min3A_93, %max3A_95 : vector<1000x100xf32>
    %max3A_97 = arith.constant 0.000000e+00 : f32
    %max3A_98 = vector.broadcast %max3A_97 : f32 to vector<1000x100xf32>
    %max3A_99 = arith.maximumf %sub3A_96, %max3A_98 : vector<1000x100xf32>
    %min3A_100 = vector.broadcast %add3A_82 : vector<1000x1xf32> to vector<1000x100xf32>
    %min3A_101 = vector.broadcast %slice3A_86 : vector<1x100xf32> to vector<1000x100xf32>
    %min3A_102 = arith.minimumf %min3A_100, %min3A_101 : vector<1000x100xf32>
    %max3A_103 = vector.broadcast %add3A_56 : vector<1000x1xf32> to vector<1000x100xf32>
    %max3A_104 = vector.broadcast %slice3A_84 : vector<1x100xf32> to vector<1000x100xf32>
    %max3A_105 = arith.maximumf %max3A_103, %max3A_104 : vector<1000x100xf32>
    %sub3A_106 = arith.subf %min3A_102, %max3A_105 : vector<1000x100xf32>
    %max3A_107 = arith.constant 0.000000e+00 : f32
    %max3A_108 = vector.broadcast %max3A_107 : f32 to vector<1000x100xf32>
    %max3A_109 = arith.maximumf %sub3A_106, %max3A_108 : vector<1000x100xf32>
    %mul3A_110 = arith.mulf %max3A_99, %max3A_109 : vector<1000x100xf32>
    %add3A_111 = vector.broadcast %mul3A_88 : vector<1000x1xf32> to vector<1000x100xf32>
    %add3A_112 = vector.broadcast %mul3A_91 : vector<1x100xf32> to vector<1000x100xf32>
    %add3A_113 = arith.addf %add3A_111, %add3A_112 : vector<1000x100xf32>
    %sub3A_114 = arith.subf %add3A_113, %mul3A_110 : vector<1000x100xf32>
    %add3A_115 = arith.constant 9.99999971E-10 : f32
    %add3A_116 = vector.broadcast %add3A_115 : f32 to vector<1000x100xf32>
    %add3A_117 = arith.addf %sub3A_114, %add3A_116 : vector<1000x100xf32>
    %div3A = arith.divf %mul3A_110, %add3A_117 : vector<1000x100xf32>
    %reduce_max3A = arith.constant dense<0xFF800000> : vector<1000xf32>
    %reduce_max3A_118 = vector.multi_reduction <maximumf>, %div3A, %reduce_max3A [1] : vector<1000x100xf32> to vector<1000xf32>
    %broadcast_in_dim3A_119 = vector.shape_cast %reduce_max3A_118 : vector<1000xf32> to vector<1000x1xf32>
    %iota3A_120 = tpu.iota {dimensions = array<i32: 1>} : vector<1000x100xi32>
    %eq3A_121 = vector.broadcast %broadcast_in_dim3A_119 : vector<1000x1xf32> to vector<1000x100xf32>
    %eq3A_122 = arith.cmpf oeq, %div3A, %eq3A_121 : vector<1000x100xf32>
    %jit3A_123 = arith.constant 100 : i32
    %broadcast_in_dim3A_124 = vector.broadcast %jit3A_123 : i32 to vector<1000x100xi32>
    %select_n3A_125 = arith.select %eq3A_122, %iota3A_120, %broadcast_in_dim3A_124 : vector<1000x100xi1>, vector<1000x100xi32>
    %reduce_min3A = arith.constant dense<2147483647> : vector<1000xi32>
    %reduce_min3A_126 = vector.multi_reduction <minsi>, %select_n3A_125, %reduce_min3A [1] : vector<1000x100xi32> to vector<1000xi32>
    %broadcast_in_dim3A_127 = vector.shape_cast %reduce_min3A_126 : vector<1000xi32> to vector<1000x1xi32>
    %ge3A = arith.constant 4.000000e-01 : f32
    %ge3A_128 = vector.broadcast %ge3A : f32 to vector<1000x1xf32>
    %ge3A_129 = arith.cmpf oge, %broadcast_in_dim3A_119, %ge3A_128 : vector<1000x1xf32>
    %lt3A = arith.constant 1.000000e-01 : f32
    %lt3A_130 = vector.broadcast %lt3A : f32 to vector<1000x1xf32>
    %lt3A_131 = arith.cmpf olt, %broadcast_in_dim3A_119, %lt3A_130 : vector<1000x1xf32>
    %eq3A_132 = vector.broadcast %broadcast_in_dim3A_127 : vector<1000x1xi32> to vector<1000x100xi32>
    %eq3A_133 = arith.cmpi eq, %iota3A_120, %eq3A_132 : vector<1000x100xi32>
    %jit3A_134 = arith.constant 0.000000e+00 : f32
    %broadcast_in_dim3A_135 = vector.shape_cast %get3A_33 : vector<1x100xf32> to vector<1x100xf32>
    %broadcast_in_dim3A_136 = vector.broadcast %broadcast_in_dim3A_135 : vector<1x100xf32> to vector<1000x100xf32>
    %broadcast_in_dim3A_137 = vector.broadcast %jit3A_134 : f32 to vector<1000x100xf32>
    %select_n3A_138 = arith.select %eq3A_133, %broadcast_in_dim3A_136, %broadcast_in_dim3A_137 : vector<1000x100xi1>, vector<1000x100xf32>
    %reduce_sum3A_139 = arith.constant dense<0.000000e+00> : vector<1000xf32>
    %reduce_sum3A_140 = vector.multi_reduction <add>, %select_n3A_138, %reduce_sum3A_139 [1] : vector<1000x100xf32> to vector<1000xf32>
    %broadcast_in_dim3A_141 = vector.shape_cast %reduce_sum3A_140 : vector<1000xf32> to vector<1000x1xf32>
    %jit3A_142 = arith.constant 8.000000e+01 : f32
    %broadcast_in_dim3A_143 = vector.broadcast %jit3A_142 : f32 to vector<1000x1xf32>
    %select_n3A_144 = arith.select %ge3A_129, %broadcast_in_dim3A_141, %broadcast_in_dim3A_143 : vector<1000x1xi1>, vector<1000x1xf32>
    %iota3A_145 = tpu.iota {dimensions = array<i32: 1>} : vector<1000x81xi32>
    %convert_element_type3A = arith.sitofp %iota3A_145 : vector<1000x81xi32> to vector<1000x81xf32>
    %eq3A_146 = vector.broadcast %select_n3A_144 : vector<1000x1xf32> to vector<1000x81xf32>
    %eq3A_147 = arith.cmpf oeq, %convert_element_type3A, %eq3A_146 : vector<1000x81xf32>
    %jit3A_148 = arith.constant 0.000000e+00 : f32
    %broadcast_in_dim3A_149 = vector.broadcast %jit3A_148 : f32 to vector<1000x81xf32>
    %select_n3A_150 = arith.select %eq3A_147, %get3A_3, %broadcast_in_dim3A_149 : vector<1000x81xi1>, vector<1000x81xf32>
    %reduce_sum3A_151 = arith.constant dense<0.000000e+00> : vector<1000xf32>
    %reduce_sum3A_152 = vector.multi_reduction <add>, %select_n3A_150, %reduce_sum3A_151 [1] : vector<1000x81xf32> to vector<1000xf32>
    %broadcast_in_dim3A_153 = vector.shape_cast %reduce_sum3A_152 : vector<1000xf32> to vector<1000x1xf32>
    %sub3A_154 = arith.subf %get3A_18, %broadcast_in_dim3A_153 : vector<1000x1xf32>
    %or3A = arith.ori %ge3A_129, %lt3A_131 : vector<1000x1xi1>
    %convert_element_type3A_155 = arith.extui %or3A : vector<1000x1xi1> to vector<1000x1xi32>
    %convert_element_type3A_156 = arith.sitofp %convert_element_type3A_155 : vector<1000x1xi32> to vector<1000x1xf32>
    %broadcast_in_dim3A_157 = arith.constant 0.000000e+00 : f32
    %broadcast_in_dim3A_158 = vector.broadcast %broadcast_in_dim3A_157 : f32 to vector<1000x1xf32>
    %slice3A_159 = vector.extract_strided_slice %get3A_28 {offsets = [0, 0], sizes = [1, 100], strides = [1, 1]} : vector<4x100xf32> to vector<1x100xf32>
    %jit3A_160 = arith.constant 0.000000e+00 : f32
    %broadcast_in_dim3A_161 = vector.shape_cast %slice3A_159 : vector<1x100xf32> to vector<1x100xf32>
    %broadcast_in_dim3A_162 = vector.broadcast %broadcast_in_dim3A_161 : vector<1x100xf32> to vector<1000x100xf32>
    %broadcast_in_dim3A_163 = vector.broadcast %jit3A_160 : f32 to vector<1000x100xf32>
    %select_n3A_164 = arith.select %eq3A_133, %broadcast_in_dim3A_162, %broadcast_in_dim3A_163 : vector<1000x100xi1>, vector<1000x100xf32>
    %reduce_sum3A_165 = arith.constant dense<0.000000e+00> : vector<1000xf32>
    %reduce_sum3A_166 = vector.multi_reduction <add>, %select_n3A_164, %reduce_sum3A_165 [1] : vector<1000x100xf32> to vector<1000xf32>
    %broadcast_in_dim3A_167 = vector.shape_cast %reduce_sum3A_166 : vector<1000xf32> to vector<1000x1xf32>
    %sub3A_168 = arith.subf %add3A_43, %broadcast_in_dim3A_167 : vector<1000x1xf32>
    %abs3A = math.absf %sub3A_168 : vector<1000x1xf32>
    %lt3A_169 = arith.constant 1.000000e+00 : f32
    %lt3A_170 = vector.broadcast %lt3A_169 : f32 to vector<1000x1xf32>
    %lt3A_171 = arith.cmpf olt, %abs3A, %lt3A_170 : vector<1000x1xf32>
    %mul3A_172 = arith.constant 5.000000e-01 : f32
    %mul3A_173 = vector.broadcast %mul3A_172 : f32 to vector<1000x1xf32>
    %mul3A_174 = arith.mulf %mul3A_173, %sub3A_168 : vector<1000x1xf32>
    %mul3A_175 = arith.mulf %mul3A_174, %sub3A_168 : vector<1000x1xf32>
    %sub3A_176 = arith.constant 5.000000e-01 : f32
    %sub3A_177 = vector.broadcast %sub3A_176 : f32 to vector<1000x1xf32>
    %sub3A_178 = arith.subf %abs3A, %sub3A_177 : vector<1000x1xf32>
    %select_n3A_179 = arith.select %lt3A_171, %mul3A_175, %sub3A_178 : vector<1000x1xi1>, vector<1000x1xf32>
    %add3A_180 = arith.addf %broadcast_in_dim3A_158, %select_n3A_179 : vector<1000x1xf32>
    %slice3A_181 = vector.extract_strided_slice %get3A_28 {offsets = [1, 0], sizes = [1, 100], strides = [1, 1]} : vector<4x100xf32> to vector<1x100xf32>
    %jit3A_182 = arith.constant 0.000000e+00 : f32
    %broadcast_in_dim3A_183 = vector.shape_cast %slice3A_181 : vector<1x100xf32> to vector<1x100xf32>
    %broadcast_in_dim3A_184 = vector.broadcast %broadcast_in_dim3A_183 : vector<1x100xf32> to vector<1000x100xf32>
    %broadcast_in_dim3A_185 = vector.broadcast %jit3A_182 : f32 to vector<1000x100xf32>
    %select_n3A_186 = arith.select %eq3A_133, %broadcast_in_dim3A_184, %broadcast_in_dim3A_185 : vector<1000x100xi1>, vector<1000x100xf32>
    %reduce_sum3A_187 = arith.constant dense<0.000000e+00> : vector<1000xf32>
    %reduce_sum3A_188 = vector.multi_reduction <add>, %select_n3A_186, %reduce_sum3A_187 [1] : vector<1000x100xf32> to vector<1000xf32>
    %broadcast_in_dim3A_189 = vector.shape_cast %reduce_sum3A_188 : vector<1000xf32> to vector<1000x1xf32>
    %sub3A_190 = arith.subf %add3A_56, %broadcast_in_dim3A_189 : vector<1000x1xf32>
    %abs3A_191 = math.absf %sub3A_190 : vector<1000x1xf32>
    %lt3A_192 = arith.constant 1.000000e+00 : f32
    %lt3A_193 = vector.broadcast %lt3A_192 : f32 to vector<1000x1xf32>
    %lt3A_194 = arith.cmpf olt, %abs3A_191, %lt3A_193 : vector<1000x1xf32>
    %mul3A_195 = arith.constant 5.000000e-01 : f32
    %mul3A_196 = vector.broadcast %mul3A_195 : f32 to vector<1000x1xf32>
    %mul3A_197 = arith.mulf %mul3A_196, %sub3A_190 : vector<1000x1xf32>
    %mul3A_198 = arith.mulf %mul3A_197, %sub3A_190 : vector<1000x1xf32>
    %sub3A_199 = arith.constant 5.000000e-01 : f32
    %sub3A_200 = vector.broadcast %sub3A_199 : f32 to vector<1000x1xf32>
    %sub3A_201 = arith.subf %abs3A_191, %sub3A_200 : vector<1000x1xf32>
    %select_n3A_202 = arith.select %lt3A_194, %mul3A_198, %sub3A_201 : vector<1000x1xi1>, vector<1000x1xf32>
    %add3A_203 = arith.addf %add3A_180, %select_n3A_202 : vector<1000x1xf32>
    %slice3A_204 = vector.extract_strided_slice %get3A_28 {offsets = [2, 0], sizes = [1, 100], strides = [1, 1]} : vector<4x100xf32> to vector<1x100xf32>
    %jit3A_205 = arith.constant 0.000000e+00 : f32
    %broadcast_in_dim3A_206 = vector.shape_cast %slice3A_204 : vector<1x100xf32> to vector<1x100xf32>
    %broadcast_in_dim3A_207 = vector.broadcast %broadcast_in_dim3A_206 : vector<1x100xf32> to vector<1000x100xf32>
    %broadcast_in_dim3A_208 = vector.broadcast %jit3A_205 : f32 to vector<1000x100xf32>
    %select_n3A_209 = arith.select %eq3A_133, %broadcast_in_dim3A_207, %broadcast_in_dim3A_208 : vector<1000x100xi1>, vector<1000x100xf32>
    %reduce_sum3A_210 = arith.constant dense<0.000000e+00> : vector<1000xf32>
    %reduce_sum3A_211 = vector.multi_reduction <add>, %select_n3A_209, %reduce_sum3A_210 [1] : vector<1000x100xf32> to vector<1000xf32>
    %broadcast_in_dim3A_212 = vector.shape_cast %reduce_sum3A_211 : vector<1000xf32> to vector<1000x1xf32>
    %sub3A_213 = arith.subf %add3A_69, %broadcast_in_dim3A_212 : vector<1000x1xf32>
    %abs3A_214 = math.absf %sub3A_213 : vector<1000x1xf32>
    %lt3A_215 = arith.constant 1.000000e+00 : f32
    %lt3A_216 = vector.broadcast %lt3A_215 : f32 to vector<1000x1xf32>
    %lt3A_217 = arith.cmpf olt, %abs3A_214, %lt3A_216 : vector<1000x1xf32>
    %mul3A_218 = arith.constant 5.000000e-01 : f32
    %mul3A_219 = vector.broadcast %mul3A_218 : f32 to vector<1000x1xf32>
    %mul3A_220 = arith.mulf %mul3A_219, %sub3A_213 : vector<1000x1xf32>
    %mul3A_221 = arith.mulf %mul3A_220, %sub3A_213 : vector<1000x1xf32>
    %sub3A_222 = arith.constant 5.000000e-01 : f32
    %sub3A_223 = vector.broadcast %sub3A_222 : f32 to vector<1000x1xf32>
    %sub3A_224 = arith.subf %abs3A_214, %sub3A_223 : vector<1000x1xf32>
    %select_n3A_225 = arith.select %lt3A_217, %mul3A_221, %sub3A_224 : vector<1000x1xi1>, vector<1000x1xf32>
    %add3A_226 = arith.addf %add3A_203, %select_n3A_225 : vector<1000x1xf32>
    %slice3A_227 = vector.extract_strided_slice %get3A_28 {offsets = [3, 0], sizes = [1, 100], strides = [1, 1]} : vector<4x100xf32> to vector<1x100xf32>
    %jit3A_228 = arith.constant 0.000000e+00 : f32
    %broadcast_in_dim3A_229 = vector.shape_cast %slice3A_227 : vector<1x100xf32> to vector<1x100xf32>
    %broadcast_in_dim3A_230 = vector.broadcast %broadcast_in_dim3A_229 : vector<1x100xf32> to vector<1000x100xf32>
    %broadcast_in_dim3A_231 = vector.broadcast %jit3A_228 : f32 to vector<1000x100xf32>
    %select_n3A_232 = arith.select %eq3A_133, %broadcast_in_dim3A_230, %broadcast_in_dim3A_231 : vector<1000x100xi1>, vector<1000x100xf32>
    %reduce_sum3A_233 = arith.constant dense<0.000000e+00> : vector<1000xf32>
    %reduce_sum3A_234 = vector.multi_reduction <add>, %select_n3A_232, %reduce_sum3A_233 [1] : vector<1000x100xf32> to vector<1000xf32>
    %broadcast_in_dim3A_235 = vector.shape_cast %reduce_sum3A_234 : vector<1000xf32> to vector<1000x1xf32>
    %sub3A_236 = arith.subf %add3A_82, %broadcast_in_dim3A_235 : vector<1000x1xf32>
    %abs3A_237 = math.absf %sub3A_236 : vector<1000x1xf32>
    %lt3A_238 = arith.constant 1.000000e+00 : f32
    %lt3A_239 = vector.broadcast %lt3A_238 : f32 to vector<1000x1xf32>
    %lt3A_240 = arith.cmpf olt, %abs3A_237, %lt3A_239 : vector<1000x1xf32>
    %mul3A_241 = arith.constant 5.000000e-01 : f32
    %mul3A_242 = vector.broadcast %mul3A_241 : f32 to vector<1000x1xf32>
    %mul3A_243 = arith.mulf %mul3A_242, %sub3A_236 : vector<1000x1xf32>
    %mul3A_244 = arith.mulf %mul3A_243, %sub3A_236 : vector<1000x1xf32>
    %sub3A_245 = arith.constant 5.000000e-01 : f32
    %sub3A_246 = vector.broadcast %sub3A_245 : f32 to vector<1000x1xf32>
    %sub3A_247 = arith.subf %abs3A_237, %sub3A_246 : vector<1000x1xf32>
    %select_n3A_248 = arith.select %lt3A_240, %mul3A_244, %sub3A_247 : vector<1000x1xi1>, vector<1000x1xf32>
    %add3A_249 = arith.addf %add3A_226, %select_n3A_248 : vector<1000x1xf32>
    %convert_element_type3A_250 = arith.extui %ge3A_129 : vector<1000x1xi1> to vector<1000x1xi32>
    %convert_element_type3A_251 = arith.sitofp %convert_element_type3A_250 : vector<1000x1xi32> to vector<1000x1xf32>
    %mul3A_252 = arith.mulf %sub3A_154, %convert_element_type3A_156 : vector<1000x1xf32>
    %reduce_sum3A_253 = vector.shape_cast %mul3A_252 : vector<1000x1xf32> to vector<1x1000x1xf32>
    %reduce_sum3A_254 = arith.constant dense<0.000000e+00> : vector<1xf32>
    %reduce_sum3A_255 = vector.multi_reduction <add>, %reduce_sum3A_253, %reduce_sum3A_254 [1, 2] : vector<1x1000x1xf32> to vector<1xf32>
    %reduce_sum3A_256 = vector.shape_cast %reduce_sum3A_255 : vector<1xf32> to vector<1x1x1xf32>
    %reduce_sum3A_257 = vector.extract %reduce_sum3A_256[0, 0, 0] : f32 from vector<1x1x1xf32>
    %reduce_sum3A_258 = vector.shape_cast %convert_element_type3A_156 : vector<1000x1xf32> to vector<1x1000x1xf32>
    %reduce_sum3A_259 = arith.constant dense<0.000000e+00> : vector<1xf32>
    %reduce_sum3A_260 = vector.multi_reduction <add>, %reduce_sum3A_258, %reduce_sum3A_259 [1, 2] : vector<1x1000x1xf32> to vector<1xf32>
    %reduce_sum3A_261 = vector.shape_cast %reduce_sum3A_260 : vector<1xf32> to vector<1x1x1xf32>
    %reduce_sum3A_262 = vector.extract %reduce_sum3A_261[0, 0, 0] : f32 from vector<1x1x1xf32>
    %reduce_sum3A_263 = vector.shape_cast %convert_element_type3A_251 : vector<1000x1xf32> to vector<1x1000x1xf32>
    %reduce_sum3A_264 = arith.constant dense<0.000000e+00> : vector<1xf32>
    %reduce_sum3A_265 = vector.multi_reduction <add>, %reduce_sum3A_263, %reduce_sum3A_264 [1, 2] : vector<1x1000x1xf32> to vector<1xf32>
    %reduce_sum3A_266 = vector.shape_cast %reduce_sum3A_265 : vector<1xf32> to vector<1x1x1xf32>
    %reduce_sum3A_267 = vector.extract %reduce_sum3A_266[0, 0, 0] : f32 from vector<1x1x1xf32>
    %convert_element_type3A_268 = arith.extui %lt3A_131 : vector<1000x1xi1> to vector<1000x1xi32>
    %convert_element_type3A_269 = arith.sitofp %convert_element_type3A_268 : vector<1000x1xi32> to vector<1000x1xf32>
    %reduce_sum3A_270 = vector.shape_cast %convert_element_type3A_269 : vector<1000x1xf32> to vector<1x1000x1xf32>
    %reduce_sum3A_271 = arith.constant dense<0.000000e+00> : vector<1xf32>
    %reduce_sum3A_272 = vector.multi_reduction <add>, %reduce_sum3A_270, %reduce_sum3A_271 [1, 2] : vector<1x1000x1xf32> to vector<1xf32>
    %reduce_sum3A_273 = vector.shape_cast %reduce_sum3A_272 : vector<1xf32> to vector<1x1x1xf32>
    %reduce_sum3A_274 = vector.extract %reduce_sum3A_273[0, 0, 0] : f32 from vector<1x1x1xf32>
    %mul3A_275 = arith.mulf %add3A_249, %convert_element_type3A_251 : vector<1000x1xf32>
    %reduce_sum3A_276 = vector.shape_cast %mul3A_275 : vector<1000x1xf32> to vector<1x1000x1xf32>
    %reduce_sum3A_277 = arith.constant dense<0.000000e+00> : vector<1xf32>
    %reduce_sum3A_278 = vector.multi_reduction <add>, %reduce_sum3A_276, %reduce_sum3A_277 [1, 2] : vector<1x1000x1xf32> to vector<1xf32>
    %reduce_sum3A_279 = vector.shape_cast %reduce_sum3A_278 : vector<1xf32> to vector<1x1x1xf32>
    %reduce_sum3A_280 = vector.extract %reduce_sum3A_279[0, 0, 0] : f32 from vector<1x1x1xf32>
    %iota3A_281 = tpu.iota {dimensions = array<i32: 1>} : vector<1x128xi32>
    %broadcast_in_dim3A_282 = arith.constant 0.000000e+00 : f32
    %broadcast_in_dim3A_283 = vector.broadcast %broadcast_in_dim3A_282 : f32 to vector<1x128xf32>
    %eq3A_284 = arith.constant 0 : i32
    %eq3A_285 = vector.broadcast %eq3A_284 : i32 to vector<1x128xi32>
    %eq3A_286 = arith.cmpi eq, %iota3A_281, %eq3A_285 : vector<1x128xi32>
    %jit3A_287 = arith.constant 0.000000e+00 : f32
    %broadcast_in_dim3A_288 = vector.broadcast %reduce_sum3A_257 : f32 to vector<1x128xf32>
    %broadcast_in_dim3A_289 = vector.broadcast %jit3A_287 : f32 to vector<1x128xf32>
    %select_n3A_290 = arith.select %eq3A_286, %broadcast_in_dim3A_288, %broadcast_in_dim3A_289 : vector<1x128xi1>, vector<1x128xf32>
    %add3A_291 = arith.addf %broadcast_in_dim3A_283, %select_n3A_290 : vector<1x128xf32>
    %eq3A_292 = arith.constant 1 : i32
    %eq3A_293 = vector.broadcast %eq3A_292 : i32 to vector<1x128xi32>
    %eq3A_294 = arith.cmpi eq, %iota3A_281, %eq3A_293 : vector<1x128xi32>
    %jit3A_295 = arith.constant 0.000000e+00 : f32
    %broadcast_in_dim3A_296 = vector.broadcast %reduce_sum3A_262 : f32 to vector<1x128xf32>
    %broadcast_in_dim3A_297 = vector.broadcast %jit3A_295 : f32 to vector<1x128xf32>
    %select_n3A_298 = arith.select %eq3A_294, %broadcast_in_dim3A_296, %broadcast_in_dim3A_297 : vector<1x128xi1>, vector<1x128xf32>
    %add3A_299 = arith.addf %add3A_291, %select_n3A_298 : vector<1x128xf32>
    %eq3A_300 = arith.constant 2 : i32
    %eq3A_301 = vector.broadcast %eq3A_300 : i32 to vector<1x128xi32>
    %eq3A_302 = arith.cmpi eq, %iota3A_281, %eq3A_301 : vector<1x128xi32>
    %jit3A_303 = arith.constant 0.000000e+00 : f32
    %broadcast_in_dim3A_304 = vector.broadcast %reduce_sum3A_267 : f32 to vector<1x128xf32>
    %broadcast_in_dim3A_305 = vector.broadcast %jit3A_303 : f32 to vector<1x128xf32>
    %select_n3A_306 = arith.select %eq3A_302, %broadcast_in_dim3A_304, %broadcast_in_dim3A_305 : vector<1x128xi1>, vector<1x128xf32>
    %add3A_307 = arith.addf %add3A_299, %select_n3A_306 : vector<1x128xf32>
    %eq3A_308 = arith.constant 3 : i32
    %eq3A_309 = vector.broadcast %eq3A_308 : i32 to vector<1x128xi32>
    %eq3A_310 = arith.cmpi eq, %iota3A_281, %eq3A_309 : vector<1x128xi32>
    %jit3A_311 = arith.constant 0.000000e+00 : f32
    %broadcast_in_dim3A_312 = vector.broadcast %reduce_sum3A_274 : f32 to vector<1x128xf32>
    %broadcast_in_dim3A_313 = vector.broadcast %jit3A_311 : f32 to vector<1x128xf32>
    %select_n3A_314 = arith.select %eq3A_310, %broadcast_in_dim3A_312, %broadcast_in_dim3A_313 : vector<1x128xi1>, vector<1x128xf32>
    %add3A_315 = arith.addf %add3A_307, %select_n3A_314 : vector<1x128xf32>
    %eq3A_316 = arith.constant 4 : i32
    %eq3A_317 = vector.broadcast %eq3A_316 : i32 to vector<1x128xi32>
    %eq3A_318 = arith.cmpi eq, %iota3A_281, %eq3A_317 : vector<1x128xi32>
    %jit3A_319 = arith.constant 0.000000e+00 : f32
    %broadcast_in_dim3A_320 = vector.broadcast %reduce_sum3A_280 : f32 to vector<1x128xf32>
    %broadcast_in_dim3A_321 = vector.broadcast %jit3A_319 : f32 to vector<1x128xf32>
    %select_n3A_322 = arith.select %eq3A_318, %broadcast_in_dim3A_320, %broadcast_in_dim3A_321 : vector<1x128xi1>, vector<1x128xf32>
    %add3A_323 = arith.addf %add3A_315, %select_n3A_322 : vector<1x128xf32>
    %eq3A_324 = arith.constant 0 : i32
    %eq3A_325 = arith.cmpi eq, %arg1, %eq3A_324 : i32
    %convert_element_type3A_326 = arith.extui %eq3A_325 : i1 to i32
    %cond3A = arith.constant 0 : i32
    %cond3A_327 = arith.cmpi ne, %convert_element_type3A_326, %cond3A : i32
    scf.if %cond3A_327 {
      %swap3A = arith.constant 0 : index
      %swap3A_332 = arith.constant 0 : index
      %swap3A_333 = arith.constant 0 : index
      %swap3A_334 = vector.load %arg9[%swap3A, %swap3A_332, %swap3A_333] : memref<1x1x128xf32, #tpu.memory_space<vmem>>, vector<1x1x128xf32>
      %swap3A_335 = vector.shape_cast %swap3A_334 : vector<1x1x128xf32> to vector<1x128xf32>
      %swap3A_336 = vector.shape_cast %add3A_323 : vector<1x128xf32> to vector<1x1x128xf32>
      tpu.vector_store %arg9[%swap3A, %swap3A_332, %swap3A_333], %swap3A_336 {strides = array<i32>} : memref<1x1x128xf32, #tpu.memory_space<vmem>>, vector<1x1x128xf32>,
    } else {
    }
    %ne3A = arith.constant 0 : i32
    %ne3A_328 = arith.cmpi ne, %arg1, %ne3A : i32
    %convert_element_type3A_329 = arith.extui %ne3A_328 : i1 to i32
    %cond3A_330 = arith.constant 0 : i32
    %cond3A_331 = arith.cmpi ne, %convert_element_type3A_329, %cond3A_330 : i32
    scf.if %cond3A_331 {
      %get3A_332 = arith.constant 0 : index
      %get3A_333 = arith.constant 0 : index
      %get3A_334 = arith.constant 0 : index
      %get3A_335 = vector.load %arg9[%get3A_332, %get3A_333, %get3A_334] : memref<1x1x128xf32, #tpu.memory_space<vmem>>, vector<1x1x128xf32>
      %get3A_336 = vector.shape_cast %get3A_335 : vector<1x1x128xf32> to vector<1x128xf32>
      %add3A_337 = arith.addf %get3A_336, %add3A_323 : vector<1x128xf32>
      %swap3A = arith.constant 0 : index
      %swap3A_338 = arith.constant 0 : index
      %swap3A_339 = arith.constant 0 : index
      %swap3A_340 = vector.load %arg9[%swap3A, %swap3A_338, %swap3A_339] : memref<1x1x128xf32, #tpu.memory_space<vmem>>, vector<1x1x128xf32>
      %swap3A_341 = vector.shape_cast %swap3A_340 : vector<1x1x128xf32> to vector<1x128xf32>
      %swap3A_342 = vector.shape_cast %add3A_337 : vector<1x128xf32> to vector<1x1x128xf32>
      tpu.vector_store %arg9[%swap3A, %swap3A_338, %swap3A_339], %swap3A_342 {strides = array<i32>} : memref<1x1x128xf32, #tpu.memory_space<vmem>>, vector<1x1x128xf32>,
    } else {
    }
    return
  }
  func.func @transform_0(%arg0: i32, %arg1: i32) -> (i32, i32, i32) {
    %c0_i32 = arith.constant 0 : i32
    %c0_i32_0 = arith.constant 0 : i32
    return %arg0, %arg1, %c0_i32 : i32, i32, i32
  }
  func.func @transform_1(%arg0: i32, %arg1: i32) -> (i32, i32, i32) {
    %c0_i32 = arith.constant 0 : i32
    %c0_i32_0 = arith.constant 0 : i32
    return %arg0, %arg1, %c0_i32 : i32, i32, i32
  }
  func.func @transform_2(%arg0: i32, %arg1: i32) -> (i32, i32, i32) {
    %c0_i32 = arith.constant 0 : i32
    %c0_i32_0 = arith.constant 0 : i32
    return %arg0, %arg1, %c0_i32 : i32, i32, i32
  }
  func.func @transform_3(%arg0: i32, %arg1: i32) -> (i32, i32, i32) {
    %c0_i32 = arith.constant 0 : i32
    %c0_i32_0 = arith.constant 0 : i32
    return %arg0, %arg1, %c0_i32 : i32, i32, i32
  }
  func.func @transform_4(%arg0: i32, %arg1: i32) -> (i32, i32, i32) {
    %c0_i32 = arith.constant 0 : i32
    %c0_i32_0 = arith.constant 0 : i32
    return %arg0, %arg1, %c0_i32 : i32, i32, i32
  }
  func.func @transform_5(%arg0: i32, %arg1: i32) -> (i32, i32, i32) {
    %c0_i32 = arith.constant 0 : i32
    %c0_i32_0 = arith.constant 0 : i32
    %c0_i32_1 = arith.constant 0 : i32
    return %arg0, %c0_i32, %c0_i32_0 : i32, i32, i32
  }
  func.func @transform_6(%arg0: i32, %arg1: i32) -> (i32, i32, i32) {
    %c0_i32 = arith.constant 0 : i32
    %c0_i32_0 = arith.constant 0 : i32
    %c0_i32_1 = arith.constant 0 : i32
    return %arg0, %c0_i32, %c0_i32_0 : i32, i32, i32
  }
  func.func @transform_7(%arg0: i32, %arg1: i32) -> (i32, i32, i32) {
    %c0_i32 = arith.constant 0 : i32
    %c0_i32_0 = arith.constant 0 : i32
    %c0_i32_1 = arith.constant 0 : i32
    return %arg0, %c0_i32, %c0_i32_0 : i32, i32, i32
  }
}

</mosaic_0001>

<sc_bundles>
// kernel: kernel.5.cloned.1.call-start
scs
__scs_entry_jumppad:
0x0: {  	(pc) =	sbr.rel $0x88, $3  }
0x1: {  	(tag) =	ssettag $0x0;
	lr =	simm.s32 $0x1  }
0x2: {  	[smem:$0x3F9C] =	sst lr;
	_ =	strace $0xD0000000  }
0x3: {  	_ = 	snop  }
0x4: {  	_ = 	snop  }
0x5: {  	_ = 	snop  }
0x6: {  	_ = 	snop  }
0x7: {  	_ = 	snop  }
__scs_overlays_trampoline_lowered:
0x8: {  	[smem:$0x3FAB] =	sst s0  }
0x9: {  	[smem:$0x3FAC] =	sst s1  }
0xa: {  	[smem:$0x3FAD] =	sst s2  }
0xb: {  	[smem:$0x3FAE] =	sst s3  }
0xc: {  	[smem:$0x3FAF] =	sst s4  }
0xd: {  	[smem:$0x3FB0] =	sst s5  }
0xe: {  	[smem:$0x3FB1] =	sst s6  }
0xf: {  	[smem:$0x3FB2] =	sst s7  }
0x10: {  	[smem:$0x3FB3] =	sst s8  }
0x11: {  	[smem:$0x3FB4] =	sst s9;
	s0 =	simm.s32 @!p0 $0x0  }
0x12: {  	s1 =	sld [smem:$0x3F9A];
	s0 =	simm.s32 @p0 $0x1  }
0x13: {  	[smem:$0x3FB5] =	sst s0;
	s0 =	simm.s32 @!p1 $0x0  }
0x14: {  	s2 =	sld [smem:$0x3F99];
	s0 =	simm.s32 @p1 $0x1  }
0x15: {  	[smem:$0x3FB6] =	sst s0;
	s0 =	simm.s32 @!p2 $0x0  }
0x16: {  	s3 =	sld [smem:$0x3FDB];
	s0 =	simm.s32 @p2 $0x1  }
0x17: {  	s4 =	simm.s32 $0x1BF5;
	[smem:$0x3FB8] =	sst s0  }
0x18: {  	s0 =	sld [smem:$0x3F9B];
	_ =	swait.ge [sflag:s4], $0x0  }
0x19: {  	s7 =	sld [smem:$0x3F9C]  }
0x1a: {  	s8 =	sadd.s32 $0xFFFFE003, lr  }
0x1b: {  	s9 =	sadd.s32 $0xFFFFFEF7, lr;
	s5 =	simm.s32 $0xFFFFFFFF;
	p2 =	slt.u32 s8, $0xFFFFF086  }
0x1c: {  	p1 =	slt.u32 s9, $0xF7A;
	s5 =	simm.s32 @!p2 $0x0  }
0x1d: {  	s5 =	simm.s32 @p1 $0x1;
	p0 =	seq.s32 s7, s2  }
0x1e: {  	s7 =	smul.u32 @!p0 $0xF7A, s2;
	p2 =	seq.s32 @!p0 s5, $0x0  }
0x1f: {  	s9 =	smul.u32 $0xF7A, s1;
	s8 =	simm.s32 @!p0 $0x1BF5;
	p2 =	por !p2, p0  }
0x20: {  	[sflag:s8] =	ssyncset.s32 @!p0 $0xFFFFF086;
	s6 =	sadd.s32 @!p0 s3, s7;
	s7 =	simm.s32 @!p0 $0x108  }
0x21: {  	s3 =	sadd.s32 s3, s9;
	s6 =	sadd.s32 @!p0 $0x88, s6;
	s7 =	simm.s32 @p2 $0x1082  }
0x22: {  	[simem:s7], [sflag:s8] =	dma.local @!p0 [hbm:s6], $0xF7A  }
0x23: {  	s9 =	sor.u32 $0xD0000000, s2;
	s6 =	simm.s32 $0x108;
	_ =	swait.ge @!p0 [sflag:s8], $0x0  }
0x24: {  	s3 =	sadd.s32 $0x88, s3;
	s6 =	simm.s32 @!p1 $0x1082;
	[sflag:s4] =	ssyncset.s32 $0xFFFFF086  }
0x25: {  	[simem:s6], [sflag:s4] =	dma.local [hbm:s3], $0xF7A  }
0x26: {  	[smem:$0x3F9C] =	sst s1;
	(tag) =	ssettag s2;
	_ =	strace s9  }
0x27: {  	s1 =	sld [smem:$0x3FAC]  }
0x28: {  	s2 =	sld [smem:$0x3FAD]  }
0x29: {  	s4 =	sld [smem:$0x3FAF]  }
0x2a: {  	p0 =	seq.s32 s5, $0x0;
	s5 =	sld [smem:$0x3FB0]  }
0x2b: {  	s6 =	sld [smem:$0x3FB1]  }
0x2c: {  	s7 =	sld [smem:$0x3FB2]  }
0x2d: {  	s3 =	simm.s32 $0x108;
	s8 =	sld [smem:$0x3FB3]  }
0x2e: {  	s3 =	simm.s32 @!p0 $0x1082;
	s9 =	sld [smem:$0x3FB4]  }
0x2f: {  	lr =	sadd.s32 s0, s3;
	s0 =	sld [smem:$0x3FAB]  }
0x30: {  	s3 =	sld [smem:$0x3FAE]  }
0x31: {  	[smem:$0x3FB7] =	sst s10  }
0x32: {  	s10 =	sld [smem:$0x3FB5];
	_ =	sdelay $0x3  }
0x33: {  	p0 =	seq.s32 s10, $0x1;
	s10 =	sld [smem:$0x3FB7];
	_ =	sdelay $0x3  }
0x34: {  	[smem:$0x3FB7] =	sst s10  }
0x35: {  	s10 =	sld [smem:$0x3FB6];
	_ =	sdelay $0x3  }
0x36: {  	p1 =	seq.s32 s10, $0x1;
	s10 =	sld [smem:$0x3FB7];
	_ =	sdelay $0x3  }
0x37: {  	[smem:$0x3FB7] =	sst s10  }
0x38: {  	s10 =	sld [smem:$0x3FB8]  }
0x39: {  	_ = 	snop;
	(pc) =	sbr.ind lr, $3  }
0x3a: {  	_ = 	snop  }
0x3b: {  	_ = 	snop  }
0x3c: {  	p2 =	seq.s32 s10, $0x1;
	s10 =	sld [smem:$0x3FB7]  }
0x3d: {  	_ =	shalt  }
0x3e: {  	_ =	shalt  }
0x3f: {  	_ =	shalt  }
0x40: {  	_ =	shalt  }
0x41: {  	_ =	shalt  }
0x42: {  	_ =	shalt  }
0x43: {  	_ =	shalt  }
0x44: {  	_ =	shalt  }
0x45: {  	_ =	shalt  }
0x46: {  	_ =	shalt  }
0x47: {  	_ =	shalt  }
0x48: {  	_ =	shalt  }
0x49: {  	_ =	shalt  }
0x4a: {  	_ =	shalt  }
0x4b: {  	_ =	shalt  }
0x4c: {  	_ =	shalt  }
0x4d: {  	_ =	shalt  }
0x4e: {  	_ =	shalt  }
0x4f: {  	_ =	shalt  }
0x50: {  	_ =	shalt  }
0x51: {  	_ =	shalt  }
0x52: {  	_ =	shalt  }
0x53: {  	_ =	shalt  }
0x54: {  	_ =	shalt  }
0x55: {  	_ =	shalt  }
0x56: {  	_ =	shalt  }
0x57: {  	_ =	shalt  }
0x58: {  	_ =	shalt  }
0x59: {  	_ =	shalt  }
0x5a: {  	_ =	shalt  }
0x5b: {  	_ =	shalt  }
0x5c: {  	_ =	shalt  }
0x5d: {  	_ =	shalt  }
0x5e: {  	_ =	shalt  }
0x5f: {  	_ =	shalt  }
0x60: {  	_ =	shalt  }
0x61: {  	_ =	shalt  }
0x62: {  	_ =	shalt  }
0x63: {  	_ =	shalt  }
0x64: {  	_ =	shalt  }
0x65: {  	_ =	shalt  }
0x66: {  	_ =	shalt  }
0x67: {  	_ =	shalt  }
0x68: {  	_ =	shalt  }
0x69: {  	_ =	shalt  }
0x6a: {  	_ =	shalt  }
0x6b: {  	_ =	shalt  }
0x6c: {  	_ =	shalt  }
0x6d: {  	_ =	shalt  }
0x6e: {  	_ =	shalt  }
0x6f: {  	_ =	shalt  }
0x70: {  	_ =	shalt  }
0x71: {  	_ =	shalt  }
0x72: {  	_ =	shalt  }
0x73: {  	_ =	shalt  }
0x74: {  	_ =	shalt  }
0x75: {  	_ =	shalt  }
0x76: {  	_ =	shalt  }
0x77: {  	_ =	shalt  }
0x78: {  	_ =	shalt  }
0x79: {  	_ =	shalt  }
0x7a: {  	_ =	shalt  }
0x7b: {  	_ =	shalt  }
0x7c: {  	_ =	shalt  }
0x7d: {  	_ =	shalt  }
0x7e: {  	_ =	shalt  }
0x7f: {  	_ =	shalt  }
0x80: {  	_ =	shalt  }
0x81: {  	_ =	shalt  }
0x82: {  	_ =	shalt  }
0x83: {  	_ =	shalt  }
0x84: {  	_ =	shalt  }
0x85: {  	_ =	shalt  }
0x86: {  	_ =	shalt  }
0x87: {  	_ =	shalt  }
.Lfunc_end0:
.L_simem_size_0:
called_computation_lowered:
.L_overlay_start_0:
0x88: {  	s2 =	sld [smem:$0x3FD9]  }
0x89: {  	s3 =	sld [smem:$0x3FFE];
	_ =	sdelay $0x1  }
0x8a: {  	s1 =	srdreg.scid  }
0x8b: {  	s0 =	sand.u32 $0x1, s1  }
0x8c: {  	s16 =	sshll.u32 s0, $0xA;
	s2 =	sadd.s32 s3, s2  }
0x8d: {  	s2 =	sadd.s32 s2, s16  }
0x8e: {  	[smem:$0x3FC3] =	sst s2  }
0x8f: {  	_ = 	snop  }
0x90: {  	(tm) =	ssettm $0x1  }
0x91: {  	s17 =	sld [smem:$0x3FFB];
	_ =	sdelay $0x3  }
0x92: {  	_ =	strace s17  }
0x93: {  	s2 =	sld [smem:$0x3FFC];
	_ =	sdelay $0x3  }
0x94: {  	_ =	strace s2  }
0x95: {  	s2 =	sld [smem:$0x3FFD];
	_ =	sdelay $0x3  }
0x96: {  	_ =	strace s2  }
0x97: {  	_ =	strace $0x8FFFFFFF  }
0x98: {  	s18 =	sld [smem:$0x3FDB];
	_ =	sdelay $0x1  }
0x99: {  	s19 =	simm.s32 $_scs_section_size  }
0x9a: {  	s4 =	simm.s32 $_size__tile_overlayer_lowered;
	s5 =	simm.s32 $_tile_overlayer_lowered  }
0x9b: {  	s22 =	simm.s32 $0x1BFF;
	s21 =	sshll.u32 s5, $0x1;
	s2 =	sadd.s32 s19, s18  }
0x9c: {  	s6 =	simm.s32 $0x0;
	s20 =	sshll.u32 s4, $0x1;
	s4 =	sadd.s32 s21, s2  }
0x9d: {  	[timem:s6], [sflag:s22] =	dma.local [hbm:s4], s20  }
0x9e: {  	_ =	swait.ge [sflag:s22], s20  }
0x9f: {  	s3 =	ssub.s32 $0x0, s20;
	[sflag:s22] =	ssyncset.done $0x0  }
0xa0: {  	[sflag:s22] =	ssyncadd.s32 s3;
	_ =	sdelay $0x1  }
0xa1: {  	s23 =	simm.s32 $0x1B8B  }
0xa2: {  	_ =	swait.ge [sflag:s23], $0x1  }
0xa3: {  	[sflag:s23] =	ssyncset.done $0x0  }
0xa4: {  	s25 =	simm.s32 $0x1B8E;
	s24 =	sld [smem:$0x3FFE];
	[sflag:s23] =	ssyncadd.s32 $0xFFFFFFFF  }
0xa5: {  	s26 =	simm.s32 $execute0_lowered;
	[smem:$0x3FD2] =	sst s25  }
0xa6: {  	s4 =	sshll.u32 s26, $0x1;
	_ =	strace $0x80000046;
	[dreg:$0x1] =	wrdreg $0xFFFFFFFF  }
0xa7: {  	s28 =	simm.s32 $_size_execute0_lowered;
	s2 =	sadd.s32 s2, s4;
	[dreg:$0x0] =	wrdreg $0x0  }
0xa8: {  	s4 =	sshll.u32 s28, $0x1;
	[dreg:$0x2] =	wrdreg s2  }
0xa9: {  	[dreg:$0x3] =	wrdreg s4  }
0xaa: {  	[dreg:$0x4] =	wrdreg $0xC0  }
0xab: {  	_ =	task [dreg:s6], $0x5FFFF  }
0xac: {  	[dreg:$0x1] =	wrdreg $0xFFFFFFFF  }
0xad: {  	[dreg:$0x0] =	wrdreg $0x60  }
0xae: {  	[dreg:$0x2] =	wrdreg s24  }
0xaf: {  	[dreg:$0x3] =	wrdreg $0x9  }
0xb0: {  	_ =	task.clear_ibuf [dreg:s6], $0x4FFFF;
	_ =	strace $0x90000046  }
0xb1: {  	s29 =	simm.s32 $0x9;
	_ =	strace $0x80000048  }
0xb2: {  	_ =	swait.ge [sflag:s29], $0x1  }
0xb3: {  	[sflag:s29] =	ssyncadd.s32 $0xFFFFFFFF  }
0xb4: {  	_ =	strace $0x90000048  }
0xb5: {  	_ =	sfence  }
0xb6: {  	s30 =	sld [smem:$0x0];
	_ =	sdelay $0x2  }
0xb7: {  	s31 =	sshll.u32 s1, $0xD;
	s1 =	sshrl.u32 s1, $0x2  }
0xb8: {  	s3 =	sand.u32 $0x4000, s31;
	s1 =	sadd.s32 s1, s30  }
0xb9: {  	s0 =	sor.u32 s3, s0;
	s1 =	sshll.u32 s1, $0x11  }
0xba: {  	s0 =	sor.u32 s1, s0  }
0xbb: {  	s0 =	sadd.s32 $0x8F2B, s0  }
0xbc: {  	[sflag:s0] =	ssyncadd.remote.s32 $0x1  }
0xbd: {  	_ =	sfence.sel $0xFFFF  }
0xbe: {  	[dreg:$0x0] =	wrdreg $0xFFFFFFFF;
	(pc) =	sbr.abs _section_cstart, $3  }
0xbf: {  	[dreg:$0x1] =	wrdreg $0xFFFFFFFF  }
0xc0: {  	_ =	task.clear_ibuf [dreg:s6], $0x2FFFF;
	_ =	strace $0x9FFFFFFF  }
0xc1: {  	(tm) =	ssettm $0x7FFFFFFF  }
tec
execute0_lowered:
.L_overlay_start_1:
0x0: {  	(tag) =	ssettag $0x1  }
0x1: {  	s1 =	srdreg.scid;
	s0 =	stileid.u32  }
0x2: {  	s16 =	sand.u32 $0x1, s1;
	s29 =	sshll.u32 s0, $0x1  }
0x3: {  	s17 =	sor.u32 s16, s29  }
0x4: {  	s18 =	rddreg [dreg:$0x0];
	s3 =	smul.u32 $0x50, s17  }
0x5: {  	s2 =	simm.s32 $0x0;
	s1 =	rddreg [dreg:$0x1]  }
0x6: {  	[smem:$0x7FF] =	sst s2;
	s3 =	sadd.s32 s3, s18  }
0x7: {  	_ =	strace $0x80000047;
	s4 =	sadd.s32 $0x1B0600, s3;
	s3 =	simm.s32 $0x2  }
0x8: {  	[tilespmem:s2], [sflag:$0x2] =	stream.linear.gather [hbm4b:s4+s2], $0x280, $0x38;
	[tilespmem:$0x2A80] =	vst v63  }
0x9: {  	_ =	swait.ge [sflag:s3], $0x280  }
0xa: {  	s6 =	simm.s32 $0x80;
	[sflag:s3] =	ssyncset.done $0x0  }
0xb: {  	s7 =	simm.s32 $0x280;
	s5 =	sadd.s32 $0x4E400, s18;
	[sflag:s3] =	ssyncadd.s32 $0xFFFFFD80  }
0xc: {  	[tilespmem:s7], [sflag:$0x1] =	stream.indirect.gather [hbm4b:s5+s6], $0x10, s2, s6, $0xb8;
	[tilespmem:$0x2A80] =	vst v63  }
0xd: {  	s8 =	simm.s32 $0xA80  }
0xe: {  	[tilespmem:s8], [sflag:$0x1] =	stream.indirect.gather [hbm4b:s5+s6], $0x10, s6, s6, $0xb8;
	[tilespmem:$0x2A80] =	vst v63  }
0xf: {  	s9 =	simm.s32 $0x100;
	s10 =	simm.s32 $0x1280  }
0x10: {  	[tilespmem:s10], [sflag:$0x1] =	stream.indirect.gather [hbm4b:s5+s6], $0x10, s9, s6, $0xb8;
	[tilespmem:$0x2A80] =	vst v63  }
0x11: {  	s11 =	simm.s32 $0x180;
	s12 =	simm.s32 $0x1A80  }
0x12: {  	[tilespmem:s12], [sflag:$0x1] =	stream.indirect.gather [hbm4b:s5+s6], $0x10, s11, s6, $0xb8;
	[tilespmem:$0x2A80] =	vst v63  }
0x13: {  	s13 =	simm.s32 $0x200;
	s14 =	simm.s32 $0x2280;
	s15 =	simm.s32 $0x1  }
0x14: {  	[tilespmem:s14], [sflag:$0x1] =	stream.indirect.gather [hbm4b:s5+s6], $0x10, s13, s6, $0xb8;
	[tilespmem:$0x2A80] =	vst v63  }
0x15: {  	_ =	swait.ge [sflag:s15], $0x800  }
0x16: {  	[sflag:s15] =	ssyncset.done $0x0  }
0x17: {  	[sflag:s15] =	ssyncadd.s32 $0xFFFFF800  }
0x18: {  	_ =	swait.ge [sflag:s15], $0x800  }
0x19: {  	[sflag:s15] =	ssyncset.done $0x0  }
0x1a: {  	[sflag:s15] =	ssyncadd.s32 $0xFFFFF800  }
0x1b: {  	_ =	swait.ge [sflag:s15], $0x800  }
0x1c: {  	[sflag:s15] =	ssyncset.done $0x0  }
0x1d: {  	s16 =	ssub.s32 $0x2, s16;
	[sflag:s15] =	ssyncadd.s32 $0xFFFFF800  }
0x1e: {  	s19 =	sshrl.u32 s16, $0x1;
	_ =	swait.ge [sflag:s15], $0x800  }
0x1f: {  	s30 =	ssub.s32 s16, s19;
	[sflag:s15] =	ssyncset.done $0x0  }
0x20: {  	s17 =	smul.u32 $0x500, s17;
	s31 =	smax.u32 s30, $0x1;
	[sflag:s15] =	ssyncadd.s32 $0xFFFFF800  }
0x21: {  	p0 =	sne.s32 s31, $0x1;
	_ =	swait.ge [sflag:s15], $0x800  }
.Ltmp0:
0x22: {  	s17 =	sadd.s32 s17, s18;
	[sflag:s15] =	ssyncset.done $0x0;
	(pc) =	sbr.rel @!p0 .LBB2_2-.Ltmp0, $4  }
0x23: {  	s16 =	sadd.s32 $0x1B1000, s17;
	[sflag:s15] =	ssyncadd.s32 $0xFFFFF800  }
0x24: {  	[hbm4b:s16+s2] =	stream.linear.scatter [tilespmem:s7], [sflag:$0x2], $0x2800, $0x38;
	[tilespmem:$0x2A80] =	vst v63  }
0x25: {  	_ =	swait.ge [sflag:s3], $0x2800  }
0x26: {  	s17 =	sadd.s32 $0xFFFFFFFF, s31;
	[sflag:s3] =	ssyncset.done $0x0  }
.LBB2_1:
0x27: {  	p0 =	sne.s32 s17, $0x1;
	s17 =	sadd.s32 $0xFFFFFFFF, s17;
	[sflag:s3] =	ssyncadd.s32 $0xFFFFD800  }
0x28: {  	[tilespmem:s2], [sflag:$0x2] =	stream.linear.gather [hbm4b:s4+s2], $0x280, $0x38;
	[tilespmem:$0x2A80] =	vst v63  }
0x29: {  	_ =	swait.ge [sflag:s3], $0x280  }
0x2a: {  	[sflag:s3] =	ssyncset.done $0x0  }
0x2b: {  	[sflag:s3] =	ssyncadd.s32 $0xFFFFFD80  }
0x2c: {  	[tilespmem:s7], [sflag:$0x1] =	stream.indirect.gather [hbm4b:s5+s6], $0x10, s2, s6, $0xb8;
	[tilespmem:$0x2A80] =	vst v63  }
0x2d: {  	_ = 	snop  }
0x2e: {  	[tilespmem:s8], [sflag:$0x1] =	stream.indirect.gather [hbm4b:s5+s6], $0x10, s6, s6, $0xb8;
	[tilespmem:$0x2A80] =	vst v63  }
0x2f: {  	_ = 	snop  }
0x30: {  	[tilespmem:s10], [sflag:$0x1] =	stream.indirect.gather [hbm4b:s5+s6], $0x10, s9, s6, $0xb8;
	[tilespmem:$0x2A80] =	vst v63  }
0x31: {  	_ = 	snop  }
0x32: {  	[tilespmem:s12], [sflag:$0x1] =	stream.indirect.gather [hbm4b:s5+s6], $0x10, s11, s6, $0xb8;
	[tilespmem:$0x2A80] =	vst v63  }
0x33: {  	_ = 	snop  }
0x34: {  	[tilespmem:s14], [sflag:$0x1] =	stream.indirect.gather [hbm4b:s5+s6], $0x10, s13, s6, $0xb8;
	[tilespmem:$0x2A80] =	vst v63  }
0x35: {  	_ =	swait.ge [sflag:s15], $0x800  }
0x36: {  	[sflag:s15] =	ssyncset.done $0x0  }
0x37: {  	[sflag:s15] =	ssyncadd.s32 $0xFFFFF800  }
0x38: {  	_ =	swait.ge [sflag:s15], $0x800  }
0x39: {  	[sflag:s15] =	ssyncset.done $0x0  }
0x3a: {  	[sflag:s15] =	ssyncadd.s32 $0xFFFFF800  }
0x3b: {  	_ =	swait.ge [sflag:s15], $0x800  }
0x3c: {  	[sflag:s15] =	ssyncset.done $0x0  }
0x3d: {  	[sflag:s15] =	ssyncadd.s32 $0xFFFFF800  }
0x3e: {  	_ =	swait.ge [sflag:s15], $0x800  }
0x3f: {  	[sflag:s15] =	ssyncset.done $0x0  }
0x40: {  	[sflag:s15] =	ssyncadd.s32 $0xFFFFF800  }
0x41: {  	_ =	swait.ge [sflag:s15], $0x800  }
.Ltmp1:
0x42: {  	[sflag:s15] =	ssyncset.done $0x0;
	(pc) =	sbr.rel @p0 .LBB2_1-.Ltmp1, $4  }
0x43: {  	[sflag:s15] =	ssyncadd.s32 $0xFFFFF800  }
0x44: {  	[hbm4b:s16+s2] =	stream.linear.scatter [tilespmem:s7], [sflag:$0x2], $0x2800, $0x38;
	[tilespmem:$0x2A80] =	vst v63  }
0x45: {  	_ =	swait.ge [sflag:s3], $0x2800  }
0x46: {  	[sflag:s3] =	ssyncset.done $0x0  }
.LBB2_2:
0x47: {  	[sflag:s3] =	ssyncadd.s32 $0xFFFFD800  }
0x48: {  	_ =	sfence.sel $0x180000  }
0x49: {  	[bflag:$0x0] =	sbarrier.arrive $0xFFFF  }
0x4a: {  	p0 =	sne.s32 s0, $0x0;
	_ =	strace $0x90000047  }
0x4b: {  	s0 =	sadd.s32 @!p0 $0x100000, s1;
	[bflag:$0x2] =	sbarrier.arrive $0xFFFF  }
0x4c: {  	[sflag:s0] =	ssyncadd.tile.s32 @!p0 $0x1;
	_ =	shalt  }
.Lfunc_end2:
_tile_overlayer_lowered:
.L_overlay_start_2:
0x4d: {  	(tag) =	ssettag $0x2  }
0x4e: {  	s0 =	rddreg [dreg:$0x0];
	s2 =	stileid.u32  }
0x4f: {  	s1 =	rddreg [dreg:$0x1];
	p0 =	sne.s32 s2, $0x0  }
0x50: {  	s3 =	rddreg [dreg:$0x2];
	[bflag:$0x3] =	sbarrier.arrive $0xFFFF;
	s2 =	simm.s32 @!p0 $0x1C02  }
0x51: {  	[timem:s3], [sflag:s2] =	dma.local @!p0 [hbm:s0], s1  }
0x52: {  	s0 =	simm.s32 @!p0 $0x2  }
0x53: {  	_ =	swait.ge @!p0 [sflag:s0], s1  }
0x54: {  	s1 =	ssub.s32 @!p0 $0x0, s1;
	[sflag:s0] =	ssyncset.done @!p0 $0x0  }
0x55: {  	[sflag:s0] =	ssyncadd.s32 @!p0 s1  }
0x56: {  	[bflag:$0x3] =	sbarrier.arrive $0xFFFF  }
0x57: {  	_ =	shalt  }

</sc_bundles>
